<compile_context>
chip_gen: v7x
topology: tpu7x:2x2x1
jax: 0.10.2.dev20260603
libtpu: 0.0.44.dev20260713+nightly
codegen_flags: <defaults>
</compile_context>

<pallas_src>
import jax
import jax.numpy as jnp
from jax import lax
from jax.experimental import pallas as pl
from jax.experimental.pallas import tpu as pltpu, tpu_sc as plsc

DIM = 64
LSEQ = 50
BATCH = 4096
NC, NS = 2, 16
NW = NC * NS
BB = 128
NBT = BATCH // BB
UNITS = LSEQ * NBT
UPW = UNITS // NW
LPAD = 56


def _body(src_tbl, tgt_tbl, src_idxT, tgt_idxT, src_out, tgt_out,
          idx_s, idx_t, rv_s, rv_t, rt_s, rt_t,
          sg_s, sg_t, so_s, so_t, si_s, si_t):
    w = lax.axis_index("s") * NC + lax.axis_index("c")
    iota = lax.iota(jnp.int32, 16)
    dvecs = [k * 16 + iota for k in range(DIM // 16)]
    dgvs = [lax.div(v, 8) for v in dvecs]
    dsvs = [lax.rem(v, 8) for v in dvecs]

    streams = (
        (src_idxT, src_tbl, src_out, idx_s, rv_s, rt_s, sg_s, so_s, si_s),
        (tgt_idxT, tgt_tbl, tgt_out, idx_t, rv_t, rt_t, sg_t, so_t, si_t),
    )

    def coords(k):
        g = k * NW + w
        return lax.div(g, NBT), lax.rem(g, NBT)

    for idxT, tbl, out, idxv, rv, rt, sg, so, si in streams:
        l0, bt0 = coords(0)
        pltpu.sync_copy(idxT.at[l0, bt0], idxv.at[0])
        pltpu.async_copy(tbl.at[idxv.at[0]], rv.at[0], sg)
        l1, bt1 = coords(1)
        pltpu.async_copy(idxT.at[l1, bt1], idxv.at[1], si)

    def body(i, carry):
        p = lax.rem(i, 2)
        q = 1 - p
        for idxT, tbl, out, idxv, rv, rt, sg, so, si in streams:
            l, bt = coords(i)
            pltpu.make_async_copy(tbl.at[pl.ds(0, BB)], rv.at[p], sg).wait()
            @pl.when(i > 0)
            def _():
                pltpu.make_async_copy(rt.at[q, :, :, pl.ds(0, BB)],
                                      out.at[0, :, 0, :, :], so).wait()
            pltpu.make_async_copy(idxT.at[0, 0], idxv.at[q], si).wait()
            l2, bt2 = coords(i + 2)
            pltpu.async_copy(idxT.at[l2, bt2], idxv.at[p], si)
            @pl.when(i + 1 < UPW)
            def _():
                pltpu.async_copy(tbl.at[idxv.at[q]], rv.at[q], sg)
            psplat = jnp.full((16,), p, jnp.int32)

            @plsc.parallel_loop(0, BB, unroll=16)
            def _(bb):
                bsplat = jnp.full((16,), bb, jnp.int32)
                for k in range(DIM // 16):
                    v = rv[p, bb, pl.ds(k * 16, 16)]
                    plsc.store_scatter(rt, [psplat, dgvs[k], dsvs[k], bsplat], v)
            pltpu.async_copy(rt.at[p, :, :, pl.ds(0, BB)],
                             out.at[l, :, bt, :, :], so)
        return carry

    lax.fori_loop(0, UPW, body, 0)

    lastp = (UPW - 1) % 2
    for idxT, tbl, out, idxv, rv, rt, sg, so, si in streams:
        pltpu.make_async_copy(rt.at[lastp, :, :, pl.ds(0, BB)],
                              out.at[0, :, 0, :, :], so).wait()
        pltpu.make_async_copy(idxT.at[0, 0], idxv.at[lastp], si).wait()


@jax.jit
def kernel(src_indices, tgt_indices, src_table, tgt_table):
    siT = jnp.pad(src_indices.astype(jnp.int32).T, ((0, LPAD - LSEQ), (0, 0)))
    tiT = jnp.pad(tgt_indices.astype(jnp.int32).T, ((0, LPAD - LSEQ), (0, 0)))
    siT = siT.reshape(LPAD, NBT, BB)
    tiT = tiT.reshape(LPAD, NBT, BB)
    f = pl.kernel(
        _body,
        out_type=(
            jax.ShapeDtypeStruct((LSEQ, DIM // 8, BATCH // 128, 8, 128),
                                 jnp.float32),
            jax.ShapeDtypeStruct((LSEQ, DIM // 8, BATCH // 128, 8, 128),
                                 jnp.float32),
        ),
        mesh=plsc.VectorSubcoreMesh(core_axis_name="c", subcore_axis_name="s"),
        scratch_types=[
            pltpu.VMEM((2, BB), jnp.int32),
            pltpu.VMEM((2, BB), jnp.int32),
            pltpu.VMEM((2, BB, DIM), jnp.float32),
            pltpu.VMEM((2, BB, DIM), jnp.float32),
            pltpu.VMEM((2, DIM // 8, 8, BB + 1), jnp.float32),
            pltpu.VMEM((2, DIM // 8, 8, BB + 1), jnp.float32),
            pltpu.SemaphoreType.DMA,
            pltpu.SemaphoreType.DMA,
            pltpu.SemaphoreType.DMA,
            pltpu.SemaphoreType.DMA,
            pltpu.SemaphoreType.DMA,
            pltpu.SemaphoreType.DMA,
        ],
        compiler_params=pltpu.CompilerParams(use_tc_tiling_on_sc=False,
                                             needs_layout_passes=False),
    )
    out_s, out_t = f(src_table, tgt_table, siT, tiT)
    out_s = jnp.transpose(out_s, (2, 4, 0, 1, 3)).reshape(BATCH, LSEQ, DIM)
    out_t = jnp.transpose(out_t, (2, 4, 0, 1, 3)).reshape(BATCH, LSEQ, DIM)
    return (out_s, out_t)

# --- scband reference (transcript-rebuilt; emitter-appended) ---
"""Pipeline reference for scband-bilingual-embedding-21440476741970 (READ-ONLY COPY).

The authoritative reference and input builder live on the scoring server;
editing this copy changes nothing except your own understanding.
"""

import jax, jax.numpy as jnp
import numpy as np

VOCAB = 100000
DIM = 64
B = 4096
L = 50
PAD = 0


def setup_inputs(seed: int = 0) -> dict:
    key = jax.random.key(seed)
    k1, k2, k3, k4 = jax.random.split(key, 4)
    # Xavier-uniform-ish init (gain for tanh), as in the torch module
    gain = 5.0 / 3.0
    bound = gain * np.sqrt(6.0 / (VOCAB + DIM))
    src_table = jax.random.uniform(k1, (VOCAB, DIM), jnp.float32, -bound, bound)
    tgt_table = jax.random.uniform(k2, (VOCAB, DIM), jnp.float32, -bound, bound)
    # padding_idx row is zero in nn.Embedding
    src_table = src_table.at[PAD].set(0.0)
    tgt_table = tgt_table.at[PAD].set(0.0)
    src_indices = jax.random.randint(k3, (B, L), 0, VOCAB, dtype=jnp.int64 if jax.config.jax_enable_x64 else jnp.int32)
    tgt_indices = jax.random.randint(k4, (B, L), 0, VOCAB, dtype=jnp.int64 if jax.config.jax_enable_x64 else jnp.int32)
    return {
        "src_indices": src_indices,
        "tgt_indices": tgt_indices,
        "src_table": src_table,
        "tgt_table": tgt_table,
    }


def reference(src_indices, tgt_indices, src_table, tgt_table):
    # BilingualEmbedding forward: look up src tokens in the src table and
    # tgt tokens in the tgt table (two independent nn.Embedding gathers).
    src_emb = jnp.take(src_table, src_indices, axis=0)
    tgt_emb = jnp.take(tgt_table, tgt_indices, axis=0)
    return (src_emb, tgt_emb)

if __name__ == "__main__":
    import jax
    _d = setup_inputs()
    print(jax.jit(kernel)(*tuple(_d.values())))

</pallas_src>

<mosaic_0001>
#map = affine_map<(d0, d1) -> (0, 0)>
#map1 = affine_map<(d0, d1) -> (0, 0, 0)>
#map2 = affine_map<(d0, d1) -> (0, 0, 0, 0, 0)>
module attributes {stable_mosaic.version = 14 : i64} {
  func.func @_body(%arg0: i32, %arg1: i32, %arg2: memref<100000x64xf32, #tpu.memory_space<hbm>>, %arg3: memref<100000x64xf32, #tpu.memory_space<hbm>>, %arg4: memref<56x32x128xi32, #tpu.memory_space<hbm>>, %arg5: memref<56x32x128xi32, #tpu.memory_space<hbm>>, %arg6: memref<50x8x32x8x128xf32, #tpu.memory_space<hbm>>, %arg7: memref<50x8x32x8x128xf32, #tpu.memory_space<hbm>>, %arg8: memref<2x128xi32, #tpu.memory_space<vmem>>, %arg9: memref<2x128xi32, #tpu.memory_space<vmem>>, %arg10: memref<2x128x64xf32, #tpu.memory_space<vmem>>, %arg11: memref<2x128x64xf32, #tpu.memory_space<vmem>>, %arg12: memref<2x8x8x129xf32, #tpu.memory_space<vmem>>, %arg13: memref<2x8x8x129xf32, #tpu.memory_space<vmem>>, %arg14: memref<!tpu.dma_semaphore, #tpu.memory_space<semaphore_mem>>, %arg15: memref<!tpu.dma_semaphore, #tpu.memory_space<semaphore_mem>>, %arg16: memref<!tpu.dma_semaphore, #tpu.memory_space<semaphore_mem>>, %arg17: memref<!tpu.dma_semaphore, #tpu.memory_space<semaphore_mem>>, %arg18: memref<!tpu.dma_semaphore, #tpu.memory_space<semaphore_mem>>, %arg19: memref<!tpu.dma_semaphore, #tpu.memory_space<semaphore_mem>>) attributes {dimension_semantics = [#tpu.dimension_semantics<core_parallel>, #tpu.dimension_semantics<subcore_parallel>], iteration_bounds = array<i64: 2, 16>, scalar_prefetch = 0 : i64, scratch_operands = 12 : i64, tpu.core_type = #tpu.core_type<sc_vector_subcore>, window_params = [{transform_indices = #map}, {transform_indices = #map}, {transform_indices = #map1}, {transform_indices = #map1}, {transform_indices = #map2}, {transform_indices = #map2}]} {
    %mul3A = arith.constant 2 : i32
    %mul3A_0 = arith.muli %arg1, %mul3A : i32
    %add3A = arith.addi %mul3A_0, %arg0 : i32
    %iota3A = tpu.iota {dimensions = array<i32: 0>} : vector<16xi32>
    %add3A_1 = arith.constant 0 : i32
    %add3A_2 = vector.broadcast %add3A_1 : i32 to vector<16xi32>
    %add3A_3 = arith.addi %add3A_2, %iota3A : vector<16xi32>
    %add3A_4 = arith.constant 16 : i32
    %add3A_5 = vector.broadcast %add3A_4 : i32 to vector<16xi32>
    %add3A_6 = arith.addi %add3A_5, %iota3A : vector<16xi32>
    %add3A_7 = arith.constant 32 : i32
    %add3A_8 = vector.broadcast %add3A_7 : i32 to vector<16xi32>
    %add3A_9 = arith.addi %add3A_8, %iota3A : vector<16xi32>
    %add3A_10 = arith.constant 48 : i32
    %add3A_11 = vector.broadcast %add3A_10 : i32 to vector<16xi32>
    %add3A_12 = arith.addi %add3A_11, %iota3A : vector<16xi32>
    %div3A = arith.constant 8 : i32
    %div3A_13 = vector.broadcast %div3A : i32 to vector<16xi32>
    %div3A_14 = arith.divsi %add3A_3, %div3A_13 : vector<16xi32>
    %div3A_15 = arith.constant 8 : i32
    %div3A_16 = vector.broadcast %div3A_15 : i32 to vector<16xi32>
    %div3A_17 = arith.divsi %add3A_6, %div3A_16 : vector<16xi32>
    %div3A_18 = arith.constant 8 : i32
    %div3A_19 = vector.broadcast %div3A_18 : i32 to vector<16xi32>
    %div3A_20 = arith.divsi %add3A_9, %div3A_19 : vector<16xi32>
    %div3A_21 = arith.constant 8 : i32
    %div3A_22 = vector.broadcast %div3A_21 : i32 to vector<16xi32>
    %div3A_23 = arith.divsi %add3A_12, %div3A_22 : vector<16xi32>
    %rem3A = arith.constant 8 : i32
    %rem3A_24 = vector.broadcast %rem3A : i32 to vector<16xi32>
    %rem3A_25 = arith.remsi %add3A_3, %rem3A_24 : vector<16xi32>
    %rem3A_26 = arith.constant 8 : i32
    %rem3A_27 = vector.broadcast %rem3A_26 : i32 to vector<16xi32>
    %rem3A_28 = arith.remsi %add3A_6, %rem3A_27 : vector<16xi32>
    %rem3A_29 = arith.constant 8 : i32
    %rem3A_30 = vector.broadcast %rem3A_29 : i32 to vector<16xi32>
    %rem3A_31 = arith.remsi %add3A_9, %rem3A_30 : vector<16xi32>
    %rem3A_32 = arith.constant 8 : i32
    %rem3A_33 = vector.broadcast %rem3A_32 : i32 to vector<16xi32>
    %rem3A_34 = arith.remsi %add3A_12, %rem3A_33 : vector<16xi32>
    %add3A_35 = arith.constant 0 : i32
    %add3A_36 = arith.addi %add3A_35, %add3A : i32
    %div3A_37 = arith.constant 32 : i32
    %div3A_38 = arith.divsi %add3A_36, %div3A_37 : i32
    %rem3A_39 = arith.constant 32 : i32
    %rem3A_40 = arith.remsi %add3A_36, %rem3A_39 : i32
    %run_scoped3A = arith.constant 0 : i32
    "tpu.region"() ({
      %run_scoped3A_189 = tpu.sem_alloc : memref<!tpu.dma_semaphore, #tpu.memory_space<semaphore_mem>>
      %dma_start3A_190 = arith.constant 0 : i32
      %dma_start3A_191 = tpu.memref_slice %arg8[%run_scoped3A, %dma_start3A_190] : memref<2x128xi32, #tpu.memory_space<vmem>> -> memref<1x128xi32, #tpu.memory_space<vmem>>
      %dma_start3A_192 = tpu.memref_squeeze %dma_start3A_191 : memref<1x128xi32, #tpu.memory_space<vmem>> -> memref<128xi32, #tpu.memory_space<vmem>>
      %dma_start3A_193 = arith.constant 0 : i32
      %dma_start3A_194 = tpu.memref_slice %arg4[%div3A_38, %rem3A_40, %dma_start3A_193] : memref<56x32x128xi32, #tpu.memory_space<hbm>> -> memref<1x1x128xi32, #tpu.memory_space<hbm>>
      %dma_start3A_195 = tpu.memref_squeeze %dma_start3A_194 : memref<1x1x128xi32, #tpu.memory_space<hbm>> -> memref<128xi32, #tpu.memory_space<hbm>>
      %dma_start3A_196 = arith.constant 0 : i32
      %dma_start3A_197 = tpu.memref_slice %arg8[%run_scoped3A, %dma_start3A_196] : memref<2x128xi32, #tpu.memory_space<vmem>> -> memref<1x128xi32, #tpu.memory_space<vmem>>
      %dma_start3A_198 = tpu.memref_squeeze %dma_start3A_197 : memref<1x128xi32, #tpu.memory_space<vmem>> -> memref<128xi32, #tpu.memory_space<vmem>>
      %dma_start3A_199 = arith.constant 0 : i32
      %dma_start3A_200 = tpu.memref_slice %arg4[%div3A_38, %rem3A_40, %dma_start3A_199] : memref<56x32x128xi32, #tpu.memory_space<hbm>> -> memref<1x1x128xi32, #tpu.memory_space<hbm>>
      %dma_start3A_201 = tpu.memref_squeeze %dma_start3A_200 : memref<1x1x128xi32, #tpu.memory_space<hbm>> -> memref<128xi32, #tpu.memory_space<hbm>>
      tpu.enqueue_dma source(%dma_start3A_201 : memref<128xi32, #tpu.memory_space<hbm>>) target(%dma_start3A_198 : memref<128xi32, #tpu.memory_space<vmem>>) target_semaphore(%run_scoped3A_189 : memref<!tpu.dma_semaphore, #tpu.memory_space<semaphore_mem>>)
      %dma_wait3A_202 = arith.constant 0 : i32
      %dma_wait3A_203 = tpu.memref_slice %arg8[%run_scoped3A, %dma_wait3A_202] : memref<2x128xi32, #tpu.memory_space<vmem>> -> memref<1x128xi32, #tpu.memory_space<vmem>>
      %dma_wait3A_204 = tpu.memref_squeeze %dma_wait3A_203 : memref<1x128xi32, #tpu.memory_space<vmem>> -> memref<128xi32, #tpu.memory_space<vmem>>
      %dma_wait3A_205 = arith.constant 0 : i32
      %dma_wait3A_206 = tpu.memref_slice %arg4[%div3A_38, %rem3A_40, %dma_wait3A_205] : memref<56x32x128xi32, #tpu.memory_space<hbm>> -> memref<1x1x128xi32, #tpu.memory_space<hbm>>
      %dma_wait3A_207 = tpu.memref_squeeze %dma_wait3A_206 : memref<1x1x128xi32, #tpu.memory_space<hbm>> -> memref<128xi32, #tpu.memory_space<hbm>>
      %dma_wait3A_208 = arith.constant 0 : i32
      %dma_wait3A_209 = tpu.memref_slice %arg8[%run_scoped3A, %dma_wait3A_208] : memref<2x128xi32, #tpu.memory_space<vmem>> -> memref<1x128xi32, #tpu.memory_space<vmem>>
      %dma_wait3A_210 = tpu.memref_squeeze %dma_wait3A_209 : memref<1x128xi32, #tpu.memory_space<vmem>> -> memref<128xi32, #tpu.memory_space<vmem>>
      %dma_wait3A_211 = arith.constant 0 : i32
      %dma_wait3A_212 = tpu.memref_slice %arg4[%div3A_38, %rem3A_40, %dma_wait3A_211] : memref<56x32x128xi32, #tpu.memory_space<hbm>> -> memref<1x1x128xi32, #tpu.memory_space<hbm>>
      %dma_wait3A_213 = tpu.memref_squeeze %dma_wait3A_212 : memref<1x1x128xi32, #tpu.memory_space<hbm>> -> memref<128xi32, #tpu.memory_space<hbm>>
      tpu.wait_dma2 semaphore(%run_scoped3A_189 : memref<!tpu.dma_semaphore, #tpu.memory_space<semaphore_mem>>) src(%dma_wait3A_213 : memref<128xi32, #tpu.memory_space<hbm>>) dst(%dma_wait3A_210 : memref<128xi32, #tpu.memory_space<vmem>>)
      tpu.yield
    }) : () -> ()
    %dma_start3A = arith.constant 0 : i32
    %dma_start3A_41 = arith.constant 0 : i32
    %dma_start3A_42 = arith.constant 0 : i32
    %dma_start3A_43 = arith.constant 0 : i32
    %dma_start3A_44 = tpu.memref_slice %arg10[%dma_start3A_41, %dma_start3A_42, %dma_start3A_43] : memref<2x128x64xf32, #tpu.memory_space<vmem>> -> memref<1x128x64xf32, #tpu.memory_space<vmem>>
    %dma_start3A_45 = tpu.memref_squeeze %dma_start3A_44 : memref<1x128x64xf32, #tpu.memory_space<vmem>> -> memref<128x64xf32, #tpu.memory_space<vmem>>
    %dma_start3A_46 = arith.constant 0 : i32
    %dma_start3A_47 = tpu.memref_slice %arg8[%dma_start3A, %dma_start3A_46] : memref<2x128xi32, #tpu.memory_space<vmem>> -> memref<1x128xi32, #tpu.memory_space<vmem>>
    %dma_start3A_48 = tpu.memref_squeeze %dma_start3A_47 : memref<1x128xi32, #tpu.memory_space<vmem>> -> memref<128xi32, #tpu.memory_space<vmem>>
    %dma_start3A_49 = arith.constant 0 : i32
    %dma_start3A_50 = arith.constant 0 : i32
    %dma_start3A_51 = tpu.memref_slice %arg2[%dma_start3A_49, %dma_start3A_50] : memref<100000x64xf32, #tpu.memory_space<hbm>> -> memref<100000x64xf32, #tpu.memory_space<hbm>>
    tpu.enqueue_indirect_dma source(%dma_start3A_51 : memref<100000x64xf32, #tpu.memory_space<hbm>>) target(%dma_start3A_45 : memref<128x64xf32, #tpu.memory_space<vmem>>) offsets(%dma_start3A_48 : memref<128xi32, #tpu.memory_space<vmem>>) semaphore(%arg14 : memref<!tpu.dma_semaphore, #tpu.memory_space<semaphore_mem>>)
    %add3A_52 = arith.constant 32 : i32
    %add3A_53 = arith.addi %add3A_52, %add3A : i32
    %div3A_54 = arith.constant 32 : i32
    %div3A_55 = arith.divsi %add3A_53, %div3A_54 : i32
    %rem3A_56 = arith.constant 32 : i32
    %rem3A_57 = arith.remsi %add3A_53, %rem3A_56 : i32
    %dma_start3A_58 = arith.constant 1 : i32
    %dma_start3A_59 = arith.constant 0 : i32
    %dma_start3A_60 = tpu.memref_slice %arg8[%dma_start3A_58, %dma_start3A_59] : memref<2x128xi32, #tpu.memory_space<vmem>> -> memref<1x128xi32, #tpu.memory_space<vmem>>
    %dma_start3A_61 = tpu.memref_squeeze %dma_start3A_60 : memref<1x128xi32, #tpu.memory_space<vmem>> -> memref<128xi32, #tpu.memory_space<vmem>>
    %dma_start3A_62 = arith.constant 0 : i32
    %dma_start3A_63 = tpu.memref_slice %arg4[%div3A_55, %rem3A_57, %dma_start3A_62] : memref<56x32x128xi32, #tpu.memory_space<hbm>> -> memref<1x1x128xi32, #tpu.memory_space<hbm>>
    %dma_start3A_64 = tpu.memref_squeeze %dma_start3A_63 : memref<1x1x128xi32, #tpu.memory_space<hbm>> -> memref<128xi32, #tpu.memory_space<hbm>>
    %dma_start3A_65 = arith.constant 0 : i32
    %dma_start3A_66 = tpu.memref_slice %arg8[%dma_start3A_58, %dma_start3A_65] : memref<2x128xi32, #tpu.memory_space<vmem>> -> memref<1x128xi32, #tpu.memory_space<vmem>>
    %dma_start3A_67 = tpu.memref_squeeze %dma_start3A_66 : memref<1x128xi32, #tpu.memory_space<vmem>> -> memref<128xi32, #tpu.memory_space<vmem>>
    %dma_start3A_68 = arith.constant 0 : i32
    %dma_start3A_69 = tpu.memref_slice %arg4[%div3A_55, %rem3A_57, %dma_start3A_68] : memref<56x32x128xi32, #tpu.memory_space<hbm>> -> memref<1x1x128xi32, #tpu.memory_space<hbm>>
    %dma_start3A_70 = tpu.memref_squeeze %dma_start3A_69 : memref<1x1x128xi32, #tpu.memory_space<hbm>> -> memref<128xi32, #tpu.memory_space<hbm>>
    tpu.enqueue_dma source(%dma_start3A_70 : memref<128xi32, #tpu.memory_space<hbm>>) target(%dma_start3A_67 : memref<128xi32, #tpu.memory_space<vmem>>) target_semaphore(%arg18 : memref<!tpu.dma_semaphore, #tpu.memory_space<semaphore_mem>>)
    %add3A_71 = arith.constant 0 : i32
    %add3A_72 = arith.addi %add3A_71, %add3A : i32
    %div3A_73 = arith.constant 32 : i32
    %div3A_74 = arith.divsi %add3A_72, %div3A_73 : i32
    %rem3A_75 = arith.constant 32 : i32
    %rem3A_76 = arith.remsi %add3A_72, %rem3A_75 : i32
    %run_scoped3A_77 = arith.constant 0 : i32
    "tpu.region"() ({
      %run_scoped3A_189 = tpu.sem_alloc : memref<!tpu.dma_semaphore, #tpu.memory_space<semaphore_mem>>
      %dma_start3A_190 = arith.constant 0 : i32
      %dma_start3A_191 = tpu.memref_slice %arg9[%run_scoped3A_77, %dma_start3A_190] : memref<2x128xi32, #tpu.memory_space<vmem>> -> memref<1x128xi32, #tpu.memory_space<vmem>>
      %dma_start3A_192 = tpu.memref_squeeze %dma_start3A_191 : memref<1x128xi32, #tpu.memory_space<vmem>> -> memref<128xi32, #tpu.memory_space<vmem>>
      %dma_start3A_193 = arith.constant 0 : i32
      %dma_start3A_194 = tpu.memref_slice %arg5[%div3A_74, %rem3A_76, %dma_start3A_193] : memref<56x32x128xi32, #tpu.memory_space<hbm>> -> memref<1x1x128xi32, #tpu.memory_space<hbm>>
      %dma_start3A_195 = tpu.memref_squeeze %dma_start3A_194 : memref<1x1x128xi32, #tpu.memory_space<hbm>> -> memref<128xi32, #tpu.memory_space<hbm>>
      %dma_start3A_196 = arith.constant 0 : i32
      %dma_start3A_197 = tpu.memref_slice %arg9[%run_scoped3A_77, %dma_start3A_196] : memref<2x128xi32, #tpu.memory_space<vmem>> -> memref<1x128xi32, #tpu.memory_space<vmem>>
      %dma_start3A_198 = tpu.memref_squeeze %dma_start3A_197 : memref<1x128xi32, #tpu.memory_space<vmem>> -> memref<128xi32, #tpu.memory_space<vmem>>
      %dma_start3A_199 = arith.constant 0 : i32
      %dma_start3A_200 = tpu.memref_slice %arg5[%div3A_74, %rem3A_76, %dma_start3A_199] : memref<56x32x128xi32, #tpu.memory_space<hbm>> -> memref<1x1x128xi32, #tpu.memory_space<hbm>>
      %dma_start3A_201 = tpu.memref_squeeze %dma_start3A_200 : memref<1x1x128xi32, #tpu.memory_space<hbm>> -> memref<128xi32, #tpu.memory_space<hbm>>
      tpu.enqueue_dma source(%dma_start3A_201 : memref<128xi32, #tpu.memory_space<hbm>>) target(%dma_start3A_198 : memref<128xi32, #tpu.memory_space<vmem>>) target_semaphore(%run_scoped3A_189 : memref<!tpu.dma_semaphore, #tpu.memory_space<semaphore_mem>>)
      %dma_wait3A_202 = arith.constant 0 : i32
      %dma_wait3A_203 = tpu.memref_slice %arg9[%run_scoped3A_77, %dma_wait3A_202] : memref<2x128xi32, #tpu.memory_space<vmem>> -> memref<1x128xi32, #tpu.memory_space<vmem>>
      %dma_wait3A_204 = tpu.memref_squeeze %dma_wait3A_203 : memref<1x128xi32, #tpu.memory_space<vmem>> -> memref<128xi32, #tpu.memory_space<vmem>>
      %dma_wait3A_205 = arith.constant 0 : i32
      %dma_wait3A_206 = tpu.memref_slice %arg5[%div3A_74, %rem3A_76, %dma_wait3A_205] : memref<56x32x128xi32, #tpu.memory_space<hbm>> -> memref<1x1x128xi32, #tpu.memory_space<hbm>>
      %dma_wait3A_207 = tpu.memref_squeeze %dma_wait3A_206 : memref<1x1x128xi32, #tpu.memory_space<hbm>> -> memref<128xi32, #tpu.memory_space<hbm>>
      %dma_wait3A_208 = arith.constant 0 : i32
      %dma_wait3A_209 = tpu.memref_slice %arg9[%run_scoped3A_77, %dma_wait3A_208] : memref<2x128xi32, #tpu.memory_space<vmem>> -> memref<1x128xi32, #tpu.memory_space<vmem>>
      %dma_wait3A_210 = tpu.memref_squeeze %dma_wait3A_209 : memref<1x128xi32, #tpu.memory_space<vmem>> -> memref<128xi32, #tpu.memory_space<vmem>>
      %dma_wait3A_211 = arith.constant 0 : i32
      %dma_wait3A_212 = tpu.memref_slice %arg5[%div3A_74, %rem3A_76, %dma_wait3A_211] : memref<56x32x128xi32, #tpu.memory_space<hbm>> -> memref<1x1x128xi32, #tpu.memory_space<hbm>>
      %dma_wait3A_213 = tpu.memref_squeeze %dma_wait3A_212 : memref<1x1x128xi32, #tpu.memory_space<hbm>> -> memref<128xi32, #tpu.memory_space<hbm>>
      tpu.wait_dma2 semaphore(%run_scoped3A_189 : memref<!tpu.dma_semaphore, #tpu.memory_space<semaphore_mem>>) src(%dma_wait3A_213 : memref<128xi32, #tpu.memory_space<hbm>>) dst(%dma_wait3A_210 : memref<128xi32, #tpu.memory_space<vmem>>)
      tpu.yield
    }) : () -> ()
    %dma_start3A_78 = arith.constant 0 : i32
    %dma_start3A_79 = arith.constant 0 : i32
    %dma_start3A_80 = arith.constant 0 : i32
    %dma_start3A_81 = arith.constant 0 : i32
    %dma_start3A_82 = tpu.memref_slice %arg11[%dma_start3A_79, %dma_start3A_80, %dma_start3A_81] : memref<2x128x64xf32, #tpu.memory_space<vmem>> -> memref<1x128x64xf32, #tpu.memory_space<vmem>>
    %dma_start3A_83 = tpu.memref_squeeze %dma_start3A_82 : memref<1x128x64xf32, #tpu.memory_space<vmem>> -> memref<128x64xf32, #tpu.memory_space<vmem>>
    %dma_start3A_84 = arith.constant 0 : i32
    %dma_start3A_85 = tpu.memref_slice %arg9[%dma_start3A_78, %dma_start3A_84] : memref<2x128xi32, #tpu.memory_space<vmem>> -> memref<1x128xi32, #tpu.memory_space<vmem>>
    %dma_start3A_86 = tpu.memref_squeeze %dma_start3A_85 : memref<1x128xi32, #tpu.memory_space<vmem>> -> memref<128xi32, #tpu.memory_space<vmem>>
    %dma_start3A_87 = arith.constant 0 : i32
    %dma_start3A_88 = arith.constant 0 : i32
    %dma_start3A_89 = tpu.memref_slice %arg3[%dma_start3A_87, %dma_start3A_88] : memref<100000x64xf32, #tpu.memory_space<hbm>> -> memref<100000x64xf32, #tpu.memory_space<hbm>>
    tpu.enqueue_indirect_dma source(%dma_start3A_89 : memref<100000x64xf32, #tpu.memory_space<hbm>>) target(%dma_start3A_83 : memref<128x64xf32, #tpu.memory_space<vmem>>) offsets(%dma_start3A_86 : memref<128xi32, #tpu.memory_space<vmem>>) semaphore(%arg15 : memref<!tpu.dma_semaphore, #tpu.memory_space<semaphore_mem>>)
    %add3A_90 = arith.constant 32 : i32
    %add3A_91 = arith.addi %add3A_90, %add3A : i32
    %div3A_92 = arith.constant 32 : i32
    %div3A_93 = arith.divsi %add3A_91, %div3A_92 : i32
    %rem3A_94 = arith.constant 32 : i32
    %rem3A_95 = arith.remsi %add3A_91, %rem3A_94 : i32
    %dma_start3A_96 = arith.constant 1 : i32
    %dma_start3A_97 = arith.constant 0 : i32
    %dma_start3A_98 = tpu.memref_slice %arg9[%dma_start3A_96, %dma_start3A_97] : memref<2x128xi32, #tpu.memory_space<vmem>> -> memref<1x128xi32, #tpu.memory_space<vmem>>
    %dma_start3A_99 = tpu.memref_squeeze %dma_start3A_98 : memref<1x128xi32, #tpu.memory_space<vmem>> -> memref<128xi32, #tpu.memory_space<vmem>>
    %dma_start3A_100 = arith.constant 0 : i32
    %dma_start3A_101 = tpu.memref_slice %arg5[%div3A_93, %rem3A_95, %dma_start3A_100] : memref<56x32x128xi32, #tpu.memory_space<hbm>> -> memref<1x1x128xi32, #tpu.memory_space<hbm>>
    %dma_start3A_102 = tpu.memref_squeeze %dma_start3A_101 : memref<1x1x128xi32, #tpu.memory_space<hbm>> -> memref<128xi32, #tpu.memory_space<hbm>>
    %dma_start3A_103 = arith.constant 0 : i32
    %dma_start3A_104 = tpu.memref_slice %arg9[%dma_start3A_96, %dma_start3A_103] : memref<2x128xi32, #tpu.memory_space<vmem>> -> memref<1x128xi32, #tpu.memory_space<vmem>>
    %dma_start3A_105 = tpu.memref_squeeze %dma_start3A_104 : memref<1x128xi32, #tpu.memory_space<vmem>> -> memref<128xi32, #tpu.memory_space<vmem>>
    %dma_start3A_106 = arith.constant 0 : i32
    %dma_start3A_107 = tpu.memref_slice %arg5[%div3A_93, %rem3A_95, %dma_start3A_106] : memref<56x32x128xi32, #tpu.memory_space<hbm>> -> memref<1x1x128xi32, #tpu.memory_space<hbm>>
    %dma_start3A_108 = tpu.memref_squeeze %dma_start3A_107 : memref<1x1x128xi32, #tpu.memory_space<hbm>> -> memref<128xi32, #tpu.memory_space<hbm>>
    tpu.enqueue_dma source(%dma_start3A_108 : memref<128xi32, #tpu.memory_space<hbm>>) target(%dma_start3A_105 : memref<128xi32, #tpu.memory_space<vmem>>) target_semaphore(%arg19 : memref<!tpu.dma_semaphore, #tpu.memory_space<semaphore_mem>>)
    %scan3A = arith.constant 0 : i32
    %scan3A_109 = arith.constant 0 : i32
    %scan3A_110 = arith.constant 50 : i32
    %scan3A_111 = arith.addi %scan3A_109, %scan3A_110 : i32
    %scan3A_112 = arith.constant 1 : i32
    scf.for %scan3A_189 = %scan3A_109 to %scan3A_111 step %scan3A_112  : i32 {
      %rem3A_190 = arith.constant 2 : i32
      %rem3A_191 = arith.remsi %scan3A_189, %rem3A_190 : i32
      %sub3A = arith.constant 1 : i32
      %sub3A_192 = arith.subi %sub3A, %rem3A_191 : i32
      %mul3A_193 = arith.constant 32 : i32
      %mul3A_194 = arith.muli %scan3A_189, %mul3A_193 : i32
      %add3A_195 = arith.addi %mul3A_194, %add3A : i32
      %div3A_196 = arith.constant 32 : i32
      %div3A_197 = arith.divsi %add3A_195, %div3A_196 : i32
      %rem3A_198 = arith.constant 32 : i32
      %rem3A_199 = arith.remsi %add3A_195, %rem3A_198 : i32
      %dma_wait3A_200 = arith.constant 0 : i32
      %dma_wait3A_201 = arith.constant 0 : i32
      %dma_wait3A_202 = tpu.memref_slice %arg10[%rem3A_191, %dma_wait3A_200, %dma_wait3A_201] : memref<2x128x64xf32, #tpu.memory_space<vmem>> -> memref<1x128x64xf32, #tpu.memory_space<vmem>>
      %dma_wait3A_203 = tpu.memref_squeeze %dma_wait3A_202 : memref<1x128x64xf32, #tpu.memory_space<vmem>> -> memref<128x64xf32, #tpu.memory_space<vmem>>
      %dma_wait3A_204 = arith.constant 0 : i32
      %dma_wait3A_205 = arith.constant 0 : i32
      %dma_wait3A_206 = tpu.memref_slice %arg2[%dma_wait3A_204, %dma_wait3A_205] : memref<100000x64xf32, #tpu.memory_space<hbm>> -> memref<128x64xf32, #tpu.memory_space<hbm>>
      %dma_wait3A_207 = arith.constant 0 : i32
      %dma_wait3A_208 = arith.constant 0 : i32
      %dma_wait3A_209 = tpu.memref_slice %arg10[%rem3A_191, %dma_wait3A_207, %dma_wait3A_208] : memref<2x128x64xf32, #tpu.memory_space<vmem>> -> memref<1x128x64xf32, #tpu.memory_space<vmem>>
      %dma_wait3A_210 = tpu.memref_squeeze %dma_wait3A_209 : memref<1x128x64xf32, #tpu.memory_space<vmem>> -> memref<128x64xf32, #tpu.memory_space<vmem>>
      %dma_wait3A_211 = arith.constant 0 : i32
      %dma_wait3A_212 = arith.constant 0 : i32
      %dma_wait3A_213 = tpu.memref_slice %arg2[%dma_wait3A_211, %dma_wait3A_212] : memref<100000x64xf32, #tpu.memory_space<hbm>> -> memref<128x64xf32, #tpu.memory_space<hbm>>
      tpu.wait_dma2 semaphore(%arg14 : memref<!tpu.dma_semaphore, #tpu.memory_space<semaphore_mem>>) src(%dma_wait3A_213 : memref<128x64xf32, #tpu.memory_space<hbm>>) dst(%dma_wait3A_210 : memref<128x64xf32, #tpu.memory_space<vmem>>)
      %gt3A = arith.constant 0 : i32
      %gt3A_214 = arith.cmpi sgt, %scan3A_189, %gt3A : i32
      %convert_element_type3A = arith.extui %gt3A_214 : i1 to i32
      %cond3A = arith.constant 0 : i32
      %cond3A_215 = arith.cmpi ne, %convert_element_type3A, %cond3A : i32
      scf.if %cond3A_215 {
        %dma_wait3A_371 = arith.constant 0 : i32
        %dma_wait3A_372 = arith.constant 0 : i32
        %dma_wait3A_373 = arith.constant 0 : i32
        %dma_wait3A_374 = arith.constant 0 : i32
        %dma_wait3A_375 = arith.constant 0 : i32
        %dma_wait3A_376 = tpu.memref_slice %arg12[%sub3A_192, %dma_wait3A_373, %dma_wait3A_374, %dma_wait3A_375] : memref<2x8x8x129xf32, #tpu.memory_space<vmem>> -> memref<1x8x8x128xf32, #tpu.memory_space<vmem>>
        %dma_wait3A_377 = tpu.memref_squeeze %dma_wait3A_376 : memref<1x8x8x128xf32, #tpu.memory_space<vmem>> -> memref<8x8x128xf32, #tpu.memory_space<vmem>>
        %dma_wait3A_378 = arith.constant 0 : i32
        %dma_wait3A_379 = arith.constant 0 : i32
        %dma_wait3A_380 = arith.constant 0 : i32
        %dma_wait3A_381 = tpu.memref_slice %arg6[%dma_wait3A_371, %dma_wait3A_378, %dma_wait3A_372, %dma_wait3A_379, %dma_wait3A_380] : memref<50x8x32x8x128xf32, #tpu.memory_space<hbm>> -> memref<1x8x1x8x128xf32, #tpu.memory_space<hbm>>
        %dma_wait3A_382 = tpu.memref_squeeze %dma_wait3A_381 : memref<1x8x1x8x128xf32, #tpu.memory_space<hbm>> -> memref<8x8x128xf32, #tpu.memory_space<hbm>>
        %dma_wait3A_383 = arith.constant 0 : i32
        %dma_wait3A_384 = arith.constant 0 : i32
        %dma_wait3A_385 = arith.constant 0 : i32
        %dma_wait3A_386 = tpu.memref_slice %arg6[%dma_wait3A_371, %dma_wait3A_383, %dma_wait3A_372, %dma_wait3A_384, %dma_wait3A_385] : memref<50x8x32x8x128xf32, #tpu.memory_space<hbm>> -> memref<1x8x1x8x128xf32, #tpu.memory_space<hbm>>
        %dma_wait3A_387 = tpu.memref_squeeze %dma_wait3A_386 : memref<1x8x1x8x128xf32, #tpu.memory_space<hbm>> -> memref<8x8x128xf32, #tpu.memory_space<hbm>>
        %dma_wait3A_388 = arith.constant 0 : i32
        %dma_wait3A_389 = arith.constant 0 : i32
        %dma_wait3A_390 = arith.constant 0 : i32
        %dma_wait3A_391 = tpu.memref_slice %arg12[%sub3A_192, %dma_wait3A_388, %dma_wait3A_389, %dma_wait3A_390] : memref<2x8x8x129xf32, #tpu.memory_space<vmem>> -> memref<1x8x8x128xf32, #tpu.memory_space<vmem>>
        %dma_wait3A_392 = tpu.memref_squeeze %dma_wait3A_391 : memref<1x8x8x128xf32, #tpu.memory_space<vmem>> -> memref<8x8x128xf32, #tpu.memory_space<vmem>>
        tpu.wait_dma2 semaphore(%arg16 : memref<!tpu.dma_semaphore, #tpu.memory_space<semaphore_mem>>) src(%dma_wait3A_392 : memref<8x8x128xf32, #tpu.memory_space<vmem>>) dst(%dma_wait3A_387 : memref<8x8x128xf32, #tpu.memory_space<hbm>>)
      } else {
      }
      %dma_wait3A_216 = arith.constant 0 : i32
      %dma_wait3A_217 = arith.constant 0 : i32
      %dma_wait3A_218 = arith.constant 0 : i32
      %dma_wait3A_219 = tpu.memref_slice %arg8[%sub3A_192, %dma_wait3A_218] : memref<2x128xi32, #tpu.memory_space<vmem>> -> memref<1x128xi32, #tpu.memory_space<vmem>>
      %dma_wait3A_220 = tpu.memref_squeeze %dma_wait3A_219 : memref<1x128xi32, #tpu.memory_space<vmem>> -> memref<128xi32, #tpu.memory_space<vmem>>
      %dma_wait3A_221 = arith.constant 0 : i32
      %dma_wait3A_222 = tpu.memref_slice %arg4[%dma_wait3A_216, %dma_wait3A_217, %dma_wait3A_221] : memref<56x32x128xi32, #tpu.memory_space<hbm>> -> memref<1x1x128xi32, #tpu.memory_space<hbm>>
      %dma_wait3A_223 = tpu.memref_squeeze %dma_wait3A_222 : memref<1x1x128xi32, #tpu.memory_space<hbm>> -> memref<128xi32, #tpu.memory_space<hbm>>
      %dma_wait3A_224 = arith.constant 0 : i32
      %dma_wait3A_225 = tpu.memref_slice %arg8[%sub3A_192, %dma_wait3A_224] : memref<2x128xi32, #tpu.memory_space<vmem>> -> memref<1x128xi32, #tpu.memory_space<vmem>>
      %dma_wait3A_226 = tpu.memref_squeeze %dma_wait3A_225 : memref<1x128xi32, #tpu.memory_space<vmem>> -> memref<128xi32, #tpu.memory_space<vmem>>
      %dma_wait3A_227 = arith.constant 0 : i32
      %dma_wait3A_228 = tpu.memref_slice %arg4[%dma_wait3A_216, %dma_wait3A_217, %dma_wait3A_227] : memref<56x32x128xi32, #tpu.memory_space<hbm>> -> memref<1x1x128xi32, #tpu.memory_space<hbm>>
      %dma_wait3A_229 = tpu.memref_squeeze %dma_wait3A_228 : memref<1x1x128xi32, #tpu.memory_space<hbm>> -> memref<128xi32, #tpu.memory_space<hbm>>
      tpu.wait_dma2 semaphore(%arg18 : memref<!tpu.dma_semaphore, #tpu.memory_space<semaphore_mem>>) src(%dma_wait3A_229 : memref<128xi32, #tpu.memory_space<hbm>>) dst(%dma_wait3A_226 : memref<128xi32, #tpu.memory_space<vmem>>)
      %add3A_230 = arith.constant 2 : i32
      %add3A_231 = arith.addi %scan3A_189, %add3A_230 : i32
      %mul3A_232 = arith.constant 32 : i32
      %mul3A_233 = arith.muli %add3A_231, %mul3A_232 : i32
      %add3A_234 = arith.addi %mul3A_233, %add3A : i32
      %div3A_235 = arith.constant 32 : i32
      %div3A_236 = arith.divsi %add3A_234, %div3A_235 : i32
      %rem3A_237 = arith.constant 32 : i32
      %rem3A_238 = arith.remsi %add3A_234, %rem3A_237 : i32
      %dma_start3A_239 = arith.constant 0 : i32
      %dma_start3A_240 = tpu.memref_slice %arg8[%rem3A_191, %dma_start3A_239] : memref<2x128xi32, #tpu.memory_space<vmem>> -> memref<1x128xi32, #tpu.memory_space<vmem>>
      %dma_start3A_241 = tpu.memref_squeeze %dma_start3A_240 : memref<1x128xi32, #tpu.memory_space<vmem>> -> memref<128xi32, #tpu.memory_space<vmem>>
      %dma_start3A_242 = arith.constant 0 : i32
      %dma_start3A_243 = tpu.memref_slice %arg4[%div3A_236, %rem3A_238, %dma_start3A_242] : memref<56x32x128xi32, #tpu.memory_space<hbm>> -> memref<1x1x128xi32, #tpu.memory_space<hbm>>
      %dma_start3A_244 = tpu.memref_squeeze %dma_start3A_243 : memref<1x1x128xi32, #tpu.memory_space<hbm>> -> memref<128xi32, #tpu.memory_space<hbm>>
      %dma_start3A_245 = arith.constant 0 : i32
      %dma_start3A_246 = tpu.memref_slice %arg8[%rem3A_191, %dma_start3A_245] : memref<2x128xi32, #tpu.memory_space<vmem>> -> memref<1x128xi32, #tpu.memory_space<vmem>>
      %dma_start3A_247 = tpu.memref_squeeze %dma_start3A_246 : memref<1x128xi32, #tpu.memory_space<vmem>> -> memref<128xi32, #tpu.memory_space<vmem>>
      %dma_start3A_248 = arith.constant 0 : i32
      %dma_start3A_249 = tpu.memref_slice %arg4[%div3A_236, %rem3A_238, %dma_start3A_248] : memref<56x32x128xi32, #tpu.memory_space<hbm>> -> memref<1x1x128xi32, #tpu.memory_space<hbm>>
      %dma_start3A_250 = tpu.memref_squeeze %dma_start3A_249 : memref<1x1x128xi32, #tpu.memory_space<hbm>> -> memref<128xi32, #tpu.memory_space<hbm>>
      tpu.enqueue_dma source(%dma_start3A_250 : memref<128xi32, #tpu.memory_space<hbm>>) target(%dma_start3A_247 : memref<128xi32, #tpu.memory_space<vmem>>) target_semaphore(%arg18 : memref<!tpu.dma_semaphore, #tpu.memory_space<semaphore_mem>>)
      %add3A_251 = arith.constant 1 : i32
      %add3A_252 = arith.addi %scan3A_189, %add3A_251 : i32
      %lt3A = arith.constant 50 : i32
      %lt3A_253 = arith.cmpi slt, %add3A_252, %lt3A : i32
      %convert_element_type3A_254 = arith.extui %lt3A_253 : i1 to i32
      %cond3A_255 = arith.constant 0 : i32
      %cond3A_256 = arith.cmpi ne, %convert_element_type3A_254, %cond3A_255 : i32
      scf.if %cond3A_256 {
        %dma_start3A_371 = arith.constant 0 : i32
        %dma_start3A_372 = arith.constant 0 : i32
        %dma_start3A_373 = tpu.memref_slice %arg10[%sub3A_192, %dma_start3A_371, %dma_start3A_372] : memref<2x128x64xf32, #tpu.memory_space<vmem>> -> memref<1x128x64xf32, #tpu.memory_space<vmem>>
        %dma_start3A_374 = tpu.memref_squeeze %dma_start3A_373 : memref<1x128x64xf32, #tpu.memory_space<vmem>> -> memref<128x64xf32, #tpu.memory_space<vmem>>
        %dma_start3A_375 = arith.constant 0 : i32
        %dma_start3A_376 = tpu.memref_slice %arg8[%sub3A_192, %dma_start3A_375] : memref<2x128xi32, #tpu.memory_space<vmem>> -> memref<1x128xi32, #tpu.memory_space<vmem>>
        %dma_start3A_377 = tpu.memref_squeeze %dma_start3A_376 : memref<1x128xi32, #tpu.memory_space<vmem>> -> memref<128xi32, #tpu.memory_space<vmem>>
        %dma_start3A_378 = arith.constant 0 : i32
        %dma_start3A_379 = arith.constant 0 : i32
        %dma_start3A_380 = tpu.memref_slice %arg2[%dma_start3A_378, %dma_start3A_379] : memref<100000x64xf32, #tpu.memory_space<hbm>> -> memref<100000x64xf32, #tpu.memory_space<hbm>>
        tpu.enqueue_indirect_dma source(%dma_start3A_380 : memref<100000x64xf32, #tpu.memory_space<hbm>>) target(%dma_start3A_374 : memref<128x64xf32, #tpu.memory_space<vmem>>) offsets(%dma_start3A_377 : memref<128xi32, #tpu.memory_space<vmem>>) semaphore(%arg14 : memref<!tpu.dma_semaphore, #tpu.memory_space<semaphore_mem>>)
      } else {
      }
      %broadcast_in_dim3A = vector.broadcast %rem3A_191 : i32 to vector<16xi32>
      %parallel_loop3A = arith.constant 0 : i32
      %parallel_loop3A_257 = arith.constant 128 : i32
      %parallel_loop3A_258 = arith.constant 1 : i32
      scf.for %parallel_loop3A_371 = %parallel_loop3A to %parallel_loop3A_257 step %parallel_loop3A_258  : i32 {
        %parallel_loop3A_372 = vector.broadcast %parallel_loop3A_371 : i32 to vector<16xi32>
        %parallel_loop3A_373 = arith.index_cast %rem3A_191 : i32 to index
        %parallel_loop3A_374 = arith.index_cast %parallel_loop3A_371 : i32 to index
        %parallel_loop3A_375 = arith.constant 0 : index
        %parallel_loop3A_376 = tpu.vector_load %arg10[%parallel_loop3A_373, %parallel_loop3A_374, %parallel_loop3A_375] {strides = array<i32>} : memref<2x128x64xf32, #tpu.memory_space<vmem>>, vector<16xf32>,
        tpu.vector_store_idx %arg12[%broadcast_in_dim3A, %div3A_14, %rem3A_25, %parallel_loop3A_372], %parallel_loop3A_376 : memref<2x8x8x129xf32, #tpu.memory_space<vmem>>[vector<16xi32>, vector<16xi32>, vector<16xi32>, vector<16xi32>], vector<16xf32>,
        %parallel_loop3A_377 = arith.index_cast %rem3A_191 : i32 to index
        %parallel_loop3A_378 = arith.index_cast %parallel_loop3A_371 : i32 to index
        %parallel_loop3A_379 = arith.constant 16 : index
        %parallel_loop3A_380 = tpu.vector_load %arg10[%parallel_loop3A_377, %parallel_loop3A_378, %parallel_loop3A_379] {strides = array<i32>} : memref<2x128x64xf32, #tpu.memory_space<vmem>>, vector<16xf32>,
        tpu.vector_store_idx %arg12[%broadcast_in_dim3A, %div3A_17, %rem3A_28, %parallel_loop3A_372], %parallel_loop3A_380 : memref<2x8x8x129xf32, #tpu.memory_space<vmem>>[vector<16xi32>, vector<16xi32>, vector<16xi32>, vector<16xi32>], vector<16xf32>,
        %parallel_loop3A_381 = arith.index_cast %rem3A_191 : i32 to index
        %parallel_loop3A_382 = arith.index_cast %parallel_loop3A_371 : i32 to index
        %parallel_loop3A_383 = arith.constant 32 : index
        %parallel_loop3A_384 = tpu.vector_load %arg10[%parallel_loop3A_381, %parallel_loop3A_382, %parallel_loop3A_383] {strides = array<i32>} : memref<2x128x64xf32, #tpu.memory_space<vmem>>, vector<16xf32>,
        tpu.vector_store_idx %arg12[%broadcast_in_dim3A, %div3A_20, %rem3A_31, %parallel_loop3A_372], %parallel_loop3A_384 : memref<2x8x8x129xf32, #tpu.memory_space<vmem>>[vector<16xi32>, vector<16xi32>, vector<16xi32>, vector<16xi32>], vector<16xf32>,
        %parallel_loop3A_385 = arith.index_cast %rem3A_191 : i32 to index
        %parallel_loop3A_386 = arith.index_cast %parallel_loop3A_371 : i32 to index
        %parallel_loop3A_387 = arith.constant 48 : index
        %parallel_loop3A_388 = tpu.vector_load %arg10[%parallel_loop3A_385, %parallel_loop3A_386, %parallel_loop3A_387] {strides = array<i32>} : memref<2x128x64xf32, #tpu.memory_space<vmem>>, vector<16xf32>,
        tpu.vector_store_idx %arg12[%broadcast_in_dim3A, %div3A_23, %rem3A_34, %parallel_loop3A_372], %parallel_loop3A_388 : memref<2x8x8x129xf32, #tpu.memory_space<vmem>>[vector<16xi32>, vector<16xi32>, vector<16xi32>, vector<16xi32>], vector<16xf32>,
      } {sc.loop_unroll_factor = 16 : i64, sc.parallel_access}
      %dma_start3A_259 = arith.constant 0 : i32
      %dma_start3A_260 = arith.constant 0 : i32
      %dma_start3A_261 = arith.constant 0 : i32
      %dma_start3A_262 = tpu.memref_slice %arg12[%rem3A_191, %dma_start3A_259, %dma_start3A_260, %dma_start3A_261] : memref<2x8x8x129xf32, #tpu.memory_space<vmem>> -> memref<1x8x8x128xf32, #tpu.memory_space<vmem>>
      %dma_start3A_263 = tpu.memref_squeeze %dma_start3A_262 : memref<1x8x8x128xf32, #tpu.memory_space<vmem>> -> memref<8x8x128xf32, #tpu.memory_space<vmem>>
      %dma_start3A_264 = arith.constant 0 : i32
      %dma_start3A_265 = arith.constant 0 : i32
      %dma_start3A_266 = arith.constant 0 : i32
      %dma_start3A_267 = tpu.memref_slice %arg6[%div3A_197, %dma_start3A_264, %rem3A_199, %dma_start3A_265, %dma_start3A_266] : memref<50x8x32x8x128xf32, #tpu.memory_space<hbm>> -> memref<1x8x1x8x128xf32, #tpu.memory_space<hbm>>
      %dma_start3A_268 = tpu.memref_squeeze %dma_start3A_267 : memref<1x8x1x8x128xf32, #tpu.memory_space<hbm>> -> memref<8x8x128xf32, #tpu.memory_space<hbm>>
      %dma_start3A_269 = arith.constant 0 : i32
      %dma_start3A_270 = arith.constant 0 : i32
      %dma_start3A_271 = arith.constant 0 : i32
      %dma_start3A_272 = tpu.memref_slice %arg6[%div3A_197, %dma_start3A_269, %rem3A_199, %dma_start3A_270, %dma_start3A_271] : memref<50x8x32x8x128xf32, #tpu.memory_space<hbm>> -> memref<1x8x1x8x128xf32, #tpu.memory_space<hbm>>
      %dma_start3A_273 = tpu.memref_squeeze %dma_start3A_272 : memref<1x8x1x8x128xf32, #tpu.memory_space<hbm>> -> memref<8x8x128xf32, #tpu.memory_space<hbm>>
      %dma_start3A_274 = arith.constant 0 : i32
      %dma_start3A_275 = arith.constant 0 : i32
      %dma_start3A_276 = arith.constant 0 : i32
      %dma_start3A_277 = tpu.memref_slice %arg12[%rem3A_191, %dma_start3A_274, %dma_start3A_275, %dma_start3A_276] : memref<2x8x8x129xf32, #tpu.memory_space<vmem>> -> memref<1x8x8x128xf32, #tpu.memory_space<vmem>>
      %dma_start3A_278 = tpu.memref_squeeze %dma_start3A_277 : memref<1x8x8x128xf32, #tpu.memory_space<vmem>> -> memref<8x8x128xf32, #tpu.memory_space<vmem>>
      tpu.enqueue_dma source(%dma_start3A_278 : memref<8x8x128xf32, #tpu.memory_space<vmem>>) target(%dma_start3A_273 : memref<8x8x128xf32, #tpu.memory_space<hbm>>) target_semaphore(%arg16 : memref<!tpu.dma_semaphore, #tpu.memory_space<semaphore_mem>>)
      %mul3A_279 = arith.constant 32 : i32
      %mul3A_280 = arith.muli %scan3A_189, %mul3A_279 : i32
      %add3A_281 = arith.addi %mul3A_280, %add3A : i32
      %div3A_282 = arith.constant 32 : i32
      %div3A_283 = arith.divsi %add3A_281, %div3A_282 : i32
      %rem3A_284 = arith.constant 32 : i32
      %rem3A_285 = arith.remsi %add3A_281, %rem3A_284 : i32
      %dma_wait3A_286 = arith.constant 0 : i32
      %dma_wait3A_287 = arith.constant 0 : i32
      %dma_wait3A_288 = tpu.memref_slice %arg11[%rem3A_191, %dma_wait3A_286, %dma_wait3A_287] : memref<2x128x64xf32, #tpu.memory_space<vmem>> -> memref<1x128x64xf32, #tpu.memory_space<vmem>>
      %dma_wait3A_289 = tpu.memref_squeeze %dma_wait3A_288 : memref<1x128x64xf32, #tpu.memory_space<vmem>> -> memref<128x64xf32, #tpu.memory_space<vmem>>
      %dma_wait3A_290 = arith.constant 0 : i32
      %dma_wait3A_291 = arith.constant 0 : i32
      %dma_wait3A_292 = tpu.memref_slice %arg3[%dma_wait3A_290, %dma_wait3A_291] : memref<100000x64xf32, #tpu.memory_space<hbm>> -> memref<128x64xf32, #tpu.memory_space<hbm>>
      %dma_wait3A_293 = arith.constant 0 : i32
      %dma_wait3A_294 = arith.constant 0 : i32
      %dma_wait3A_295 = tpu.memref_slice %arg11[%rem3A_191, %dma_wait3A_293, %dma_wait3A_294] : memref<2x128x64xf32, #tpu.memory_space<vmem>> -> memref<1x128x64xf32, #tpu.memory_space<vmem>>
      %dma_wait3A_296 = tpu.memref_squeeze %dma_wait3A_295 : memref<1x128x64xf32, #tpu.memory_space<vmem>> -> memref<128x64xf32, #tpu.memory_space<vmem>>
      %dma_wait3A_297 = arith.constant 0 : i32
      %dma_wait3A_298 = arith.constant 0 : i32
      %dma_wait3A_299 = tpu.memref_slice %arg3[%dma_wait3A_297, %dma_wait3A_298] : memref<100000x64xf32, #tpu.memory_space<hbm>> -> memref<128x64xf32, #tpu.memory_space<hbm>>
      tpu.wait_dma2 semaphore(%arg15 : memref<!tpu.dma_semaphore, #tpu.memory_space<semaphore_mem>>) src(%dma_wait3A_299 : memref<128x64xf32, #tpu.memory_space<hbm>>) dst(%dma_wait3A_296 : memref<128x64xf32, #tpu.memory_space<vmem>>)
      %gt3A_300 = arith.constant 0 : i32
      %gt3A_301 = arith.cmpi sgt, %scan3A_189, %gt3A_300 : i32
      %convert_element_type3A_302 = arith.extui %gt3A_301 : i1 to i32
      %cond3A_303 = arith.constant 0 : i32
      %cond3A_304 = arith.cmpi ne, %convert_element_type3A_302, %cond3A_303 : i32
      scf.if %cond3A_304 {
        %dma_wait3A_371 = arith.constant 0 : i32
        %dma_wait3A_372 = arith.constant 0 : i32
        %dma_wait3A_373 = arith.constant 0 : i32
        %dma_wait3A_374 = arith.constant 0 : i32
        %dma_wait3A_375 = arith.constant 0 : i32
        %dma_wait3A_376 = tpu.memref_slice %arg13[%sub3A_192, %dma_wait3A_373, %dma_wait3A_374, %dma_wait3A_375] : memref<2x8x8x129xf32, #tpu.memory_space<vmem>> -> memref<1x8x8x128xf32, #tpu.memory_space<vmem>>
        %dma_wait3A_377 = tpu.memref_squeeze %dma_wait3A_376 : memref<1x8x8x128xf32, #tpu.memory_space<vmem>> -> memref<8x8x128xf32, #tpu.memory_space<vmem>>
        %dma_wait3A_378 = arith.constant 0 : i32
        %dma_wait3A_379 = arith.constant 0 : i32
        %dma_wait3A_380 = arith.constant 0 : i32
        %dma_wait3A_381 = tpu.memref_slice %arg7[%dma_wait3A_371, %dma_wait3A_378, %dma_wait3A_372, %dma_wait3A_379, %dma_wait3A_380] : memref<50x8x32x8x128xf32, #tpu.memory_space<hbm>> -> memref<1x8x1x8x128xf32, #tpu.memory_space<hbm>>
        %dma_wait3A_382 = tpu.memref_squeeze %dma_wait3A_381 : memref<1x8x1x8x128xf32, #tpu.memory_space<hbm>> -> memref<8x8x128xf32, #tpu.memory_space<hbm>>
        %dma_wait3A_383 = arith.constant 0 : i32
        %dma_wait3A_384 = arith.constant 0 : i32
        %dma_wait3A_385 = arith.constant 0 : i32
        %dma_wait3A_386 = tpu.memref_slice %arg7[%dma_wait3A_371, %dma_wait3A_383, %dma_wait3A_372, %dma_wait3A_384, %dma_wait3A_385] : memref<50x8x32x8x128xf32, #tpu.memory_space<hbm>> -> memref<1x8x1x8x128xf32, #tpu.memory_space<hbm>>
        %dma_wait3A_387 = tpu.memref_squeeze %dma_wait3A_386 : memref<1x8x1x8x128xf32, #tpu.memory_space<hbm>> -> memref<8x8x128xf32, #tpu.memory_space<hbm>>
        %dma_wait3A_388 = arith.constant 0 : i32
        %dma_wait3A_389 = arith.constant 0 : i32
        %dma_wait3A_390 = arith.constant 0 : i32
        %dma_wait3A_391 = tpu.memref_slice %arg13[%sub3A_192, %dma_wait3A_388, %dma_wait3A_389, %dma_wait3A_390] : memref<2x8x8x129xf32, #tpu.memory_space<vmem>> -> memref<1x8x8x128xf32, #tpu.memory_space<vmem>>
        %dma_wait3A_392 = tpu.memref_squeeze %dma_wait3A_391 : memref<1x8x8x128xf32, #tpu.memory_space<vmem>> -> memref<8x8x128xf32, #tpu.memory_space<vmem>>
        tpu.wait_dma2 semaphore(%arg17 : memref<!tpu.dma_semaphore, #tpu.memory_space<semaphore_mem>>) src(%dma_wait3A_392 : memref<8x8x128xf32, #tpu.memory_space<vmem>>) dst(%dma_wait3A_387 : memref<8x8x128xf32, #tpu.memory_space<hbm>>)
      } else {
      }
      %dma_wait3A_305 = arith.constant 0 : i32
      %dma_wait3A_306 = arith.constant 0 : i32
      %dma_wait3A_307 = arith.constant 0 : i32
      %dma_wait3A_308 = tpu.memref_slice %arg9[%sub3A_192, %dma_wait3A_307] : memref<2x128xi32, #tpu.memory_space<vmem>> -> memref<1x128xi32, #tpu.memory_space<vmem>>
      %dma_wait3A_309 = tpu.memref_squeeze %dma_wait3A_308 : memref<1x128xi32, #tpu.memory_space<vmem>> -> memref<128xi32, #tpu.memory_space<vmem>>
      %dma_wait3A_310 = arith.constant 0 : i32
      %dma_wait3A_311 = tpu.memref_slice %arg5[%dma_wait3A_305, %dma_wait3A_306, %dma_wait3A_310] : memref<56x32x128xi32, #tpu.memory_space<hbm>> -> memref<1x1x128xi32, #tpu.memory_space<hbm>>
      %dma_wait3A_312 = tpu.memref_squeeze %dma_wait3A_311 : memref<1x1x128xi32, #tpu.memory_space<hbm>> -> memref<128xi32, #tpu.memory_space<hbm>>
      %dma_wait3A_313 = arith.constant 0 : i32
      %dma_wait3A_314 = tpu.memref_slice %arg9[%sub3A_192, %dma_wait3A_313] : memref<2x128xi32, #tpu.memory_space<vmem>> -> memref<1x128xi32, #tpu.memory_space<vmem>>
      %dma_wait3A_315 = tpu.memref_squeeze %dma_wait3A_314 : memref<1x128xi32, #tpu.memory_space<vmem>> -> memref<128xi32, #tpu.memory_space<vmem>>
      %dma_wait3A_316 = arith.constant 0 : i32
      %dma_wait3A_317 = tpu.memref_slice %arg5[%dma_wait3A_305, %dma_wait3A_306, %dma_wait3A_316] : memref<56x32x128xi32, #tpu.memory_space<hbm>> -> memref<1x1x128xi32, #tpu.memory_space<hbm>>
      %dma_wait3A_318 = tpu.memref_squeeze %dma_wait3A_317 : memref<1x1x128xi32, #tpu.memory_space<hbm>> -> memref<128xi32, #tpu.memory_space<hbm>>
      tpu.wait_dma2 semaphore(%arg19 : memref<!tpu.dma_semaphore, #tpu.memory_space<semaphore_mem>>) src(%dma_wait3A_318 : memref<128xi32, #tpu.memory_space<hbm>>) dst(%dma_wait3A_315 : memref<128xi32, #tpu.memory_space<vmem>>)
      %add3A_319 = arith.constant 2 : i32
      %add3A_320 = arith.addi %scan3A_189, %add3A_319 : i32
      %mul3A_321 = arith.constant 32 : i32
      %mul3A_322 = arith.muli %add3A_320, %mul3A_321 : i32
      %add3A_323 = arith.addi %mul3A_322, %add3A : i32
      %div3A_324 = arith.constant 32 : i32
      %div3A_325 = arith.divsi %add3A_323, %div3A_324 : i32
      %rem3A_326 = arith.constant 32 : i32
      %rem3A_327 = arith.remsi %add3A_323, %rem3A_326 : i32
      %dma_start3A_328 = arith.constant 0 : i32
      %dma_start3A_329 = tpu.memref_slice %arg9[%rem3A_191, %dma_start3A_328] : memref<2x128xi32, #tpu.memory_space<vmem>> -> memref<1x128xi32, #tpu.memory_space<vmem>>
      %dma_start3A_330 = tpu.memref_squeeze %dma_start3A_329 : memref<1x128xi32, #tpu.memory_space<vmem>> -> memref<128xi32, #tpu.memory_space<vmem>>
      %dma_start3A_331 = arith.constant 0 : i32
      %dma_start3A_332 = tpu.memref_slice %arg5[%div3A_325, %rem3A_327, %dma_start3A_331] : memref<56x32x128xi32, #tpu.memory_space<hbm>> -> memref<1x1x128xi32, #tpu.memory_space<hbm>>
      %dma_start3A_333 = tpu.memref_squeeze %dma_start3A_332 : memref<1x1x128xi32, #tpu.memory_space<hbm>> -> memref<128xi32, #tpu.memory_space<hbm>>
      %dma_start3A_334 = arith.constant 0 : i32
      %dma_start3A_335 = tpu.memref_slice %arg9[%rem3A_191, %dma_start3A_334] : memref<2x128xi32, #tpu.memory_space<vmem>> -> memref<1x128xi32, #tpu.memory_space<vmem>>
      %dma_start3A_336 = tpu.memref_squeeze %dma_start3A_335 : memref<1x128xi32, #tpu.memory_space<vmem>> -> memref<128xi32, #tpu.memory_space<vmem>>
      %dma_start3A_337 = arith.constant 0 : i32
      %dma_start3A_338 = tpu.memref_slice %arg5[%div3A_325, %rem3A_327, %dma_start3A_337] : memref<56x32x128xi32, #tpu.memory_space<hbm>> -> memref<1x1x128xi32, #tpu.memory_space<hbm>>
      %dma_start3A_339 = tpu.memref_squeeze %dma_start3A_338 : memref<1x1x128xi32, #tpu.memory_space<hbm>> -> memref<128xi32, #tpu.memory_space<hbm>>
      tpu.enqueue_dma source(%dma_start3A_339 : memref<128xi32, #tpu.memory_space<hbm>>) target(%dma_start3A_336 : memref<128xi32, #tpu.memory_space<vmem>>) target_semaphore(%arg19 : memref<!tpu.dma_semaphore, #tpu.memory_space<semaphore_mem>>)
      %add3A_340 = arith.constant 1 : i32
      %add3A_341 = arith.addi %scan3A_189, %add3A_340 : i32
      %lt3A_342 = arith.constant 50 : i32
      %lt3A_343 = arith.cmpi slt, %add3A_341, %lt3A_342 : i32
      %convert_element_type3A_344 = arith.extui %lt3A_343 : i1 to i32
      %cond3A_345 = arith.constant 0 : i32
      %cond3A_346 = arith.cmpi ne, %convert_element_type3A_344, %cond3A_345 : i32
      scf.if %cond3A_346 {
        %dma_start3A_371 = arith.constant 0 : i32
        %dma_start3A_372 = arith.constant 0 : i32
        %dma_start3A_373 = tpu.memref_slice %arg11[%sub3A_192, %dma_start3A_371, %dma_start3A_372] : memref<2x128x64xf32, #tpu.memory_space<vmem>> -> memref<1x128x64xf32, #tpu.memory_space<vmem>>
        %dma_start3A_374 = tpu.memref_squeeze %dma_start3A_373 : memref<1x128x64xf32, #tpu.memory_space<vmem>> -> memref<128x64xf32, #tpu.memory_space<vmem>>
        %dma_start3A_375 = arith.constant 0 : i32
        %dma_start3A_376 = tpu.memref_slice %arg9[%sub3A_192, %dma_start3A_375] : memref<2x128xi32, #tpu.memory_space<vmem>> -> memref<1x128xi32, #tpu.memory_space<vmem>>
        %dma_start3A_377 = tpu.memref_squeeze %dma_start3A_376 : memref<1x128xi32, #tpu.memory_space<vmem>> -> memref<128xi32, #tpu.memory_space<vmem>>
        %dma_start3A_378 = arith.constant 0 : i32
        %dma_start3A_379 = arith.constant 0 : i32
        %dma_start3A_380 = tpu.memref_slice %arg3[%dma_start3A_378, %dma_start3A_379] : memref<100000x64xf32, #tpu.memory_space<hbm>> -> memref<100000x64xf32, #tpu.memory_space<hbm>>
        tpu.enqueue_indirect_dma source(%dma_start3A_380 : memref<100000x64xf32, #tpu.memory_space<hbm>>) target(%dma_start3A_374 : memref<128x64xf32, #tpu.memory_space<vmem>>) offsets(%dma_start3A_377 : memref<128xi32, #tpu.memory_space<vmem>>) semaphore(%arg15 : memref<!tpu.dma_semaphore, #tpu.memory_space<semaphore_mem>>)
      } else {
      }
      %broadcast_in_dim3A_347 = vector.broadcast %rem3A_191 : i32 to vector<16xi32>
      %parallel_loop3A_348 = arith.constant 0 : i32
      %parallel_loop3A_349 = arith.constant 128 : i32
      %parallel_loop3A_350 = arith.constant 1 : i32
      scf.for %parallel_loop3A_371 = %parallel_loop3A_348 to %parallel_loop3A_349 step %parallel_loop3A_350  : i32 {
        %parallel_loop3A_372 = vector.broadcast %parallel_loop3A_371 : i32 to vector<16xi32>
        %parallel_loop3A_373 = arith.index_cast %rem3A_191 : i32 to index
        %parallel_loop3A_374 = arith.index_cast %parallel_loop3A_371 : i32 to index
        %parallel_loop3A_375 = arith.constant 0 : index
        %parallel_loop3A_376 = tpu.vector_load %arg11[%parallel_loop3A_373, %parallel_loop3A_374, %parallel_loop3A_375] {strides = array<i32>} : memref<2x128x64xf32, #tpu.memory_space<vmem>>, vector<16xf32>,
        tpu.vector_store_idx %arg13[%broadcast_in_dim3A_347, %div3A_14, %rem3A_25, %parallel_loop3A_372], %parallel_loop3A_376 : memref<2x8x8x129xf32, #tpu.memory_space<vmem>>[vector<16xi32>, vector<16xi32>, vector<16xi32>, vector<16xi32>], vector<16xf32>,
        %parallel_loop3A_377 = arith.index_cast %rem3A_191 : i32 to index
        %parallel_loop3A_378 = arith.index_cast %parallel_loop3A_371 : i32 to index
        %parallel_loop3A_379 = arith.constant 16 : index
        %parallel_loop3A_380 = tpu.vector_load %arg11[%parallel_loop3A_377, %parallel_loop3A_378, %parallel_loop3A_379] {strides = array<i32>} : memref<2x128x64xf32, #tpu.memory_space<vmem>>, vector<16xf32>,
        tpu.vector_store_idx %arg13[%broadcast_in_dim3A_347, %div3A_17, %rem3A_28, %parallel_loop3A_372], %parallel_loop3A_380 : memref<2x8x8x129xf32, #tpu.memory_space<vmem>>[vector<16xi32>, vector<16xi32>, vector<16xi32>, vector<16xi32>], vector<16xf32>,
        %parallel_loop3A_381 = arith.index_cast %rem3A_191 : i32 to index
        %parallel_loop3A_382 = arith.index_cast %parallel_loop3A_371 : i32 to index
        %parallel_loop3A_383 = arith.constant 32 : index
        %parallel_loop3A_384 = tpu.vector_load %arg11[%parallel_loop3A_381, %parallel_loop3A_382, %parallel_loop3A_383] {strides = array<i32>} : memref<2x128x64xf32, #tpu.memory_space<vmem>>, vector<16xf32>,
        tpu.vector_store_idx %arg13[%broadcast_in_dim3A_347, %div3A_20, %rem3A_31, %parallel_loop3A_372], %parallel_loop3A_384 : memref<2x8x8x129xf32, #tpu.memory_space<vmem>>[vector<16xi32>, vector<16xi32>, vector<16xi32>, vector<16xi32>], vector<16xf32>,
        %parallel_loop3A_385 = arith.index_cast %rem3A_191 : i32 to index
        %parallel_loop3A_386 = arith.index_cast %parallel_loop3A_371 : i32 to index
        %parallel_loop3A_387 = arith.constant 48 : index
        %parallel_loop3A_388 = tpu.vector_load %arg11[%parallel_loop3A_385, %parallel_loop3A_386, %parallel_loop3A_387] {strides = array<i32>} : memref<2x128x64xf32, #tpu.memory_space<vmem>>, vector<16xf32>,
        tpu.vector_store_idx %arg13[%broadcast_in_dim3A_347, %div3A_23, %rem3A_34, %parallel_loop3A_372], %parallel_loop3A_388 : memref<2x8x8x129xf32, #tpu.memory_space<vmem>>[vector<16xi32>, vector<16xi32>, vector<16xi32>, vector<16xi32>], vector<16xf32>,
      } {sc.loop_unroll_factor = 16 : i64, sc.parallel_access}
      %dma_start3A_351 = arith.constant 0 : i32
      %dma_start3A_352 = arith.constant 0 : i32
      %dma_start3A_353 = arith.constant 0 : i32
      %dma_start3A_354 = tpu.memref_slice %arg13[%rem3A_191, %dma_start3A_351, %dma_start3A_352, %dma_start3A_353] : memref<2x8x8x129xf32, #tpu.memory_space<vmem>> -> memref<1x8x8x128xf32, #tpu.memory_space<vmem>>
      %dma_start3A_355 = tpu.memref_squeeze %dma_start3A_354 : memref<1x8x8x128xf32, #tpu.memory_space<vmem>> -> memref<8x8x128xf32, #tpu.memory_space<vmem>>
      %dma_start3A_356 = arith.constant 0 : i32
      %dma_start3A_357 = arith.constant 0 : i32
      %dma_start3A_358 = arith.constant 0 : i32
      %dma_start3A_359 = tpu.memref_slice %arg7[%div3A_283, %dma_start3A_356, %rem3A_285, %dma_start3A_357, %dma_start3A_358] : memref<50x8x32x8x128xf32, #tpu.memory_space<hbm>> -> memref<1x8x1x8x128xf32, #tpu.memory_space<hbm>>
      %dma_start3A_360 = tpu.memref_squeeze %dma_start3A_359 : memref<1x8x1x8x128xf32, #tpu.memory_space<hbm>> -> memref<8x8x128xf32, #tpu.memory_space<hbm>>
      %dma_start3A_361 = arith.constant 0 : i32
      %dma_start3A_362 = arith.constant 0 : i32
      %dma_start3A_363 = arith.constant 0 : i32
      %dma_start3A_364 = tpu.memref_slice %arg7[%div3A_283, %dma_start3A_361, %rem3A_285, %dma_start3A_362, %dma_start3A_363] : memref<50x8x32x8x128xf32, #tpu.memory_space<hbm>> -> memref<1x8x1x8x128xf32, #tpu.memory_space<hbm>>
      %dma_start3A_365 = tpu.memref_squeeze %dma_start3A_364 : memref<1x8x1x8x128xf32, #tpu.memory_space<hbm>> -> memref<8x8x128xf32, #tpu.memory_space<hbm>>
      %dma_start3A_366 = arith.constant 0 : i32
      %dma_start3A_367 = arith.constant 0 : i32
      %dma_start3A_368 = arith.constant 0 : i32
      %dma_start3A_369 = tpu.memref_slice %arg13[%rem3A_191, %dma_start3A_366, %dma_start3A_367, %dma_start3A_368] : memref<2x8x8x129xf32, #tpu.memory_space<vmem>> -> memref<1x8x8x128xf32, #tpu.memory_space<vmem>>
      %dma_start3A_370 = tpu.memref_squeeze %dma_start3A_369 : memref<1x8x8x128xf32, #tpu.memory_space<vmem>> -> memref<8x8x128xf32, #tpu.memory_space<vmem>>
      tpu.enqueue_dma source(%dma_start3A_370 : memref<8x8x128xf32, #tpu.memory_space<vmem>>) target(%dma_start3A_365 : memref<8x8x128xf32, #tpu.memory_space<hbm>>) target_semaphore(%arg17 : memref<!tpu.dma_semaphore, #tpu.memory_space<semaphore_mem>>)
    }
    %scan3A_113 = arith.constant 50 : i32
    %dma_wait3A = arith.constant 1 : i32
    %dma_wait3A_114 = arith.constant 0 : i32
    %dma_wait3A_115 = arith.constant 0 : i32
    %dma_wait3A_116 = arith.constant 0 : i32
    %dma_wait3A_117 = arith.constant 0 : i32
    %dma_wait3A_118 = arith.constant 0 : i32
    %dma_wait3A_119 = tpu.memref_slice %arg12[%dma_wait3A, %dma_wait3A_116, %dma_wait3A_117, %dma_wait3A_118] : memref<2x8x8x129xf32, #tpu.memory_space<vmem>> -> memref<1x8x8x128xf32, #tpu.memory_space<vmem>>
    %dma_wait3A_120 = tpu.memref_squeeze %dma_wait3A_119 : memref<1x8x8x128xf32, #tpu.memory_space<vmem>> -> memref<8x8x128xf32, #tpu.memory_space<vmem>>
    %dma_wait3A_121 = arith.constant 0 : i32
    %dma_wait3A_122 = arith.constant 0 : i32
    %dma_wait3A_123 = arith.constant 0 : i32
    %dma_wait3A_124 = tpu.memref_slice %arg6[%dma_wait3A_114, %dma_wait3A_121, %dma_wait3A_115, %dma_wait3A_122, %dma_wait3A_123] : memref<50x8x32x8x128xf32, #tpu.memory_space<hbm>> -> memref<1x8x1x8x128xf32, #tpu.memory_space<hbm>>
    %dma_wait3A_125 = tpu.memref_squeeze %dma_wait3A_124 : memref<1x8x1x8x128xf32, #tpu.memory_space<hbm>> -> memref<8x8x128xf32, #tpu.memory_space<hbm>>
    %dma_wait3A_126 = arith.constant 0 : i32
    %dma_wait3A_127 = arith.constant 0 : i32
    %dma_wait3A_128 = arith.constant 0 : i32
    %dma_wait3A_129 = tpu.memref_slice %arg6[%dma_wait3A_114, %dma_wait3A_126, %dma_wait3A_115, %dma_wait3A_127, %dma_wait3A_128] : memref<50x8x32x8x128xf32, #tpu.memory_space<hbm>> -> memref<1x8x1x8x128xf32, #tpu.memory_space<hbm>>
    %dma_wait3A_130 = tpu.memref_squeeze %dma_wait3A_129 : memref<1x8x1x8x128xf32, #tpu.memory_space<hbm>> -> memref<8x8x128xf32, #tpu.memory_space<hbm>>
    %dma_wait3A_131 = arith.constant 0 : i32
    %dma_wait3A_132 = arith.constant 0 : i32
    %dma_wait3A_133 = arith.constant 0 : i32
    %dma_wait3A_134 = tpu.memref_slice %arg12[%dma_wait3A, %dma_wait3A_131, %dma_wait3A_132, %dma_wait3A_133] : memref<2x8x8x129xf32, #tpu.memory_space<vmem>> -> memref<1x8x8x128xf32, #tpu.memory_space<vmem>>
    %dma_wait3A_135 = tpu.memref_squeeze %dma_wait3A_134 : memref<1x8x8x128xf32, #tpu.memory_space<vmem>> -> memref<8x8x128xf32, #tpu.memory_space<vmem>>
    tpu.wait_dma2 semaphore(%arg16 : memref<!tpu.dma_semaphore, #tpu.memory_space<semaphore_mem>>) src(%dma_wait3A_135 : memref<8x8x128xf32, #tpu.memory_space<vmem>>) dst(%dma_wait3A_130 : memref<8x8x128xf32, #tpu.memory_space<hbm>>)
    %dma_wait3A_136 = arith.constant 0 : i32
    %dma_wait3A_137 = arith.constant 0 : i32
    %dma_wait3A_138 = arith.constant 1 : i32
    %dma_wait3A_139 = arith.constant 0 : i32
    %dma_wait3A_140 = tpu.memref_slice %arg8[%dma_wait3A_138, %dma_wait3A_139] : memref<2x128xi32, #tpu.memory_space<vmem>> -> memref<1x128xi32, #tpu.memory_space<vmem>>
    %dma_wait3A_141 = tpu.memref_squeeze %dma_wait3A_140 : memref<1x128xi32, #tpu.memory_space<vmem>> -> memref<128xi32, #tpu.memory_space<vmem>>
    %dma_wait3A_142 = arith.constant 0 : i32
    %dma_wait3A_143 = tpu.memref_slice %arg4[%dma_wait3A_136, %dma_wait3A_137, %dma_wait3A_142] : memref<56x32x128xi32, #tpu.memory_space<hbm>> -> memref<1x1x128xi32, #tpu.memory_space<hbm>>
    %dma_wait3A_144 = tpu.memref_squeeze %dma_wait3A_143 : memref<1x1x128xi32, #tpu.memory_space<hbm>> -> memref<128xi32, #tpu.memory_space<hbm>>
    %dma_wait3A_145 = arith.constant 0 : i32
    %dma_wait3A_146 = tpu.memref_slice %arg8[%dma_wait3A_138, %dma_wait3A_145] : memref<2x128xi32, #tpu.memory_space<vmem>> -> memref<1x128xi32, #tpu.memory_space<vmem>>
    %dma_wait3A_147 = tpu.memref_squeeze %dma_wait3A_146 : memref<1x128xi32, #tpu.memory_space<vmem>> -> memref<128xi32, #tpu.memory_space<vmem>>
    %dma_wait3A_148 = arith.constant 0 : i32
    %dma_wait3A_149 = tpu.memref_slice %arg4[%dma_wait3A_136, %dma_wait3A_137, %dma_wait3A_148] : memref<56x32x128xi32, #tpu.memory_space<hbm>> -> memref<1x1x128xi32, #tpu.memory_space<hbm>>
    %dma_wait3A_150 = tpu.memref_squeeze %dma_wait3A_149 : memref<1x1x128xi32, #tpu.memory_space<hbm>> -> memref<128xi32, #tpu.memory_space<hbm>>
    tpu.wait_dma2 semaphore(%arg18 : memref<!tpu.dma_semaphore, #tpu.memory_space<semaphore_mem>>) src(%dma_wait3A_150 : memref<128xi32, #tpu.memory_space<hbm>>) dst(%dma_wait3A_147 : memref<128xi32, #tpu.memory_space<vmem>>)
    %dma_wait3A_151 = arith.constant 1 : i32
    %dma_wait3A_152 = arith.constant 0 : i32
    %dma_wait3A_153 = arith.constant 0 : i32
    %dma_wait3A_154 = arith.constant 0 : i32
    %dma_wait3A_155 = arith.constant 0 : i32
    %dma_wait3A_156 = arith.constant 0 : i32
    %dma_wait3A_157 = tpu.memref_slice %arg13[%dma_wait3A_151, %dma_wait3A_154, %dma_wait3A_155, %dma_wait3A_156] : memref<2x8x8x129xf32, #tpu.memory_space<vmem>> -> memref<1x8x8x128xf32, #tpu.memory_space<vmem>>
    %dma_wait3A_158 = tpu.memref_squeeze %dma_wait3A_157 : memref<1x8x8x128xf32, #tpu.memory_space<vmem>> -> memref<8x8x128xf32, #tpu.memory_space<vmem>>
    %dma_wait3A_159 = arith.constant 0 : i32
    %dma_wait3A_160 = arith.constant 0 : i32
    %dma_wait3A_161 = arith.constant 0 : i32
    %dma_wait3A_162 = tpu.memref_slice %arg7[%dma_wait3A_152, %dma_wait3A_159, %dma_wait3A_153, %dma_wait3A_160, %dma_wait3A_161] : memref<50x8x32x8x128xf32, #tpu.memory_space<hbm>> -> memref<1x8x1x8x128xf32, #tpu.memory_space<hbm>>
    %dma_wait3A_163 = tpu.memref_squeeze %dma_wait3A_162 : memref<1x8x1x8x128xf32, #tpu.memory_space<hbm>> -> memref<8x8x128xf32, #tpu.memory_space<hbm>>
    %dma_wait3A_164 = arith.constant 0 : i32
    %dma_wait3A_165 = arith.constant 0 : i32
    %dma_wait3A_166 = arith.constant 0 : i32
    %dma_wait3A_167 = tpu.memref_slice %arg7[%dma_wait3A_152, %dma_wait3A_164, %dma_wait3A_153, %dma_wait3A_165, %dma_wait3A_166] : memref<50x8x32x8x128xf32, #tpu.memory_space<hbm>> -> memref<1x8x1x8x128xf32, #tpu.memory_space<hbm>>
    %dma_wait3A_168 = tpu.memref_squeeze %dma_wait3A_167 : memref<1x8x1x8x128xf32, #tpu.memory_space<hbm>> -> memref<8x8x128xf32, #tpu.memory_space<hbm>>
    %dma_wait3A_169 = arith.constant 0 : i32
    %dma_wait3A_170 = arith.constant 0 : i32
    %dma_wait3A_171 = arith.constant 0 : i32
    %dma_wait3A_172 = tpu.memref_slice %arg13[%dma_wait3A_151, %dma_wait3A_169, %dma_wait3A_170, %dma_wait3A_171] : memref<2x8x8x129xf32, #tpu.memory_space<vmem>> -> memref<1x8x8x128xf32, #tpu.memory_space<vmem>>
    %dma_wait3A_173 = tpu.memref_squeeze %dma_wait3A_172 : memref<1x8x8x128xf32, #tpu.memory_space<vmem>> -> memref<8x8x128xf32, #tpu.memory_space<vmem>>
    tpu.wait_dma2 semaphore(%arg17 : memref<!tpu.dma_semaphore, #tpu.memory_space<semaphore_mem>>) src(%dma_wait3A_173 : memref<8x8x128xf32, #tpu.memory_space<vmem>>) dst(%dma_wait3A_168 : memref<8x8x128xf32, #tpu.memory_space<hbm>>)
    %dma_wait3A_174 = arith.constant 0 : i32
    %dma_wait3A_175 = arith.constant 0 : i32
    %dma_wait3A_176 = arith.constant 1 : i32
    %dma_wait3A_177 = arith.constant 0 : i32
    %dma_wait3A_178 = tpu.memref_slice %arg9[%dma_wait3A_176, %dma_wait3A_177] : memref<2x128xi32, #tpu.memory_space<vmem>> -> memref<1x128xi32, #tpu.memory_space<vmem>>
    %dma_wait3A_179 = tpu.memref_squeeze %dma_wait3A_178 : memref<1x128xi32, #tpu.memory_space<vmem>> -> memref<128xi32, #tpu.memory_space<vmem>>
    %dma_wait3A_180 = arith.constant 0 : i32
    %dma_wait3A_181 = tpu.memref_slice %arg5[%dma_wait3A_174, %dma_wait3A_175, %dma_wait3A_180] : memref<56x32x128xi32, #tpu.memory_space<hbm>> -> memref<1x1x128xi32, #tpu.memory_space<hbm>>
    %dma_wait3A_182 = tpu.memref_squeeze %dma_wait3A_181 : memref<1x1x128xi32, #tpu.memory_space<hbm>> -> memref<128xi32, #tpu.memory_space<hbm>>
    %dma_wait3A_183 = arith.constant 0 : i32
    %dma_wait3A_184 = tpu.memref_slice %arg9[%dma_wait3A_176, %dma_wait3A_183] : memref<2x128xi32, #tpu.memory_space<vmem>> -> memref<1x128xi32, #tpu.memory_space<vmem>>
    %dma_wait3A_185 = tpu.memref_squeeze %dma_wait3A_184 : memref<1x128xi32, #tpu.memory_space<vmem>> -> memref<128xi32, #tpu.memory_space<vmem>>
    %dma_wait3A_186 = arith.constant 0 : i32
    %dma_wait3A_187 = tpu.memref_slice %arg5[%dma_wait3A_174, %dma_wait3A_175, %dma_wait3A_186] : memref<56x32x128xi32, #tpu.memory_space<hbm>> -> memref<1x1x128xi32, #tpu.memory_space<hbm>>
    %dma_wait3A_188 = tpu.memref_squeeze %dma_wait3A_187 : memref<1x1x128xi32, #tpu.memory_space<hbm>> -> memref<128xi32, #tpu.memory_space<hbm>>
    tpu.wait_dma2 semaphore(%arg19 : memref<!tpu.dma_semaphore, #tpu.memory_space<semaphore_mem>>) src(%dma_wait3A_188 : memref<128xi32, #tpu.memory_space<hbm>>) dst(%dma_wait3A_185 : memref<128xi32, #tpu.memory_space<vmem>>)
    return
  }
}

</mosaic_0001>

<sc_bundles>
// kernel: kernel.3.cloned.1.call-start
scs
__scs_entry_jumppad:
0x0: {  	(pc) =	sbr.rel $0x88, $3  }
0x1: {  	(tag) =	ssettag $0x0;
	lr =	simm.s32 $0x1  }
0x2: {  	[smem:$0x3F9D] =	sst lr;
	_ =	strace $0xD0000000  }
0x3: {  	_ = 	snop  }
0x4: {  	_ = 	snop  }
0x5: {  	_ = 	snop  }
0x6: {  	_ = 	snop  }
0x7: {  	_ = 	snop  }
__scs_overlays_trampoline_lowered:
0x8: {  	[smem:$0x3FAC] =	sst s0  }
0x9: {  	[smem:$0x3FAD] =	sst s1  }
0xa: {  	[smem:$0x3FAE] =	sst s2  }
0xb: {  	[smem:$0x3FAF] =	sst s3  }
0xc: {  	[smem:$0x3FB0] =	sst s4  }
0xd: {  	[smem:$0x3FB1] =	sst s5  }
0xe: {  	[smem:$0x3FB2] =	sst s6  }
0xf: {  	[smem:$0x3FB3] =	sst s7  }
0x10: {  	[smem:$0x3FB4] =	sst s8  }
0x11: {  	[smem:$0x3FB5] =	sst s9;
	s0 =	simm.s32 @!p0 $0x0  }
0x12: {  	s1 =	sld [smem:$0x3F9B];
	s0 =	simm.s32 @p0 $0x1  }
0x13: {  	[smem:$0x3FB6] =	sst s0;
	s0 =	simm.s32 @!p1 $0x0  }
0x14: {  	s2 =	sld [smem:$0x3F9A];
	s0 =	simm.s32 @p1 $0x1  }
0x15: {  	[smem:$0x3FB7] =	sst s0;
	s0 =	simm.s32 @!p2 $0x0  }
0x16: {  	s3 =	sld [smem:$0x3FDB];
	s0 =	simm.s32 @p2 $0x1  }
0x17: {  	s4 =	simm.s32 $0x1BF5;
	[smem:$0x3FB9] =	sst s0  }
0x18: {  	s0 =	sld [smem:$0x3F9C];
	_ =	swait.ge [sflag:s4], $0x0  }
0x19: {  	s7 =	sld [smem:$0x3F9D]  }
0x1a: {  	s8 =	sadd.s32 $0xFFFFE003, lr  }
0x1b: {  	s9 =	sadd.s32 $0xFFFFFEF7, lr;
	s5 =	simm.s32 $0xFFFFFFFF;
	p2 =	slt.u32 s8, $0xFFFFF086  }
0x1c: {  	p1 =	slt.u32 s9, $0xF7A;
	s5 =	simm.s32 @!p2 $0x0  }
0x1d: {  	s5 =	simm.s32 @p1 $0x1;
	p0 =	seq.s32 s7, s2  }
0x1e: {  	s7 =	smul.u32 @!p0 $0xF7A, s2;
	p2 =	seq.s32 @!p0 s5, $0x0  }
0x1f: {  	s9 =	smul.u32 $0xF7A, s1;
	s8 =	simm.s32 @!p0 $0x1BF5;
	p2 =	por !p2, p0  }
0x20: {  	[sflag:s8] =	ssyncset.s32 @!p0 $0xFFFFF086;
	s6 =	sadd.s32 @!p0 s3, s7;
	s7 =	simm.s32 @!p0 $0x108  }
0x21: {  	s3 =	sadd.s32 s3, s9;
	s6 =	sadd.s32 @!p0 $0x88, s6;
	s7 =	simm.s32 @p2 $0x1082  }
0x22: {  	[simem:s7], [sflag:s8] =	dma.local @!p0 [hbm:s6], $0xF7A  }
0x23: {  	s9 =	sor.u32 $0xD0000000, s2;
	s6 =	simm.s32 $0x108;
	_ =	swait.ge @!p0 [sflag:s8], $0x0  }
0x24: {  	s3 =	sadd.s32 $0x88, s3;
	s6 =	simm.s32 @!p1 $0x1082;
	[sflag:s4] =	ssyncset.s32 $0xFFFFF086  }
0x25: {  	[simem:s6], [sflag:s4] =	dma.local [hbm:s3], $0xF7A  }
0x26: {  	[smem:$0x3F9D] =	sst s1;
	(tag) =	ssettag s2;
	_ =	strace s9  }
0x27: {  	s1 =	sld [smem:$0x3FAD]  }
0x28: {  	s2 =	sld [smem:$0x3FAE]  }
0x29: {  	s4 =	sld [smem:$0x3FB0]  }
0x2a: {  	p0 =	seq.s32 s5, $0x0;
	s5 =	sld [smem:$0x3FB1]  }
0x2b: {  	s6 =	sld [smem:$0x3FB2]  }
0x2c: {  	s7 =	sld [smem:$0x3FB3]  }
0x2d: {  	s3 =	simm.s32 $0x108;
	s8 =	sld [smem:$0x3FB4]  }
0x2e: {  	s3 =	simm.s32 @!p0 $0x1082;
	s9 =	sld [smem:$0x3FB5]  }
0x2f: {  	lr =	sadd.s32 s0, s3;
	s0 =	sld [smem:$0x3FAC]  }
0x30: {  	s3 =	sld [smem:$0x3FAF]  }
0x31: {  	[smem:$0x3FB8] =	sst s10  }
0x32: {  	s10 =	sld [smem:$0x3FB6];
	_ =	sdelay $0x3  }
0x33: {  	p0 =	seq.s32 s10, $0x1;
	s10 =	sld [smem:$0x3FB8];
	_ =	sdelay $0x3  }
0x34: {  	[smem:$0x3FB8] =	sst s10  }
0x35: {  	s10 =	sld [smem:$0x3FB7];
	_ =	sdelay $0x3  }
0x36: {  	p1 =	seq.s32 s10, $0x1;
	s10 =	sld [smem:$0x3FB8];
	_ =	sdelay $0x3  }
0x37: {  	[smem:$0x3FB8] =	sst s10  }
0x38: {  	s10 =	sld [smem:$0x3FB9]  }
0x39: {  	_ = 	snop;
	(pc) =	sbr.ind lr, $3  }
0x3a: {  	_ = 	snop  }
0x3b: {  	_ = 	snop  }
0x3c: {  	p2 =	seq.s32 s10, $0x1;
	s10 =	sld [smem:$0x3FB8]  }
0x3d: {  	_ =	shalt  }
0x3e: {  	_ =	shalt  }
0x3f: {  	_ =	shalt  }
0x40: {  	_ =	shalt  }
0x41: {  	_ =	shalt  }
0x42: {  	_ =	shalt  }
0x43: {  	_ =	shalt  }
0x44: {  	_ =	shalt  }
0x45: {  	_ =	shalt  }
0x46: {  	_ =	shalt  }
0x47: {  	_ =	shalt  }
0x48: {  	_ =	shalt  }
0x49: {  	_ =	shalt  }
0x4a: {  	_ =	shalt  }
0x4b: {  	_ =	shalt  }
0x4c: {  	_ =	shalt  }
0x4d: {  	_ =	shalt  }
0x4e: {  	_ =	shalt  }
0x4f: {  	_ =	shalt  }
0x50: {  	_ =	shalt  }
0x51: {  	_ =	shalt  }
0x52: {  	_ =	shalt  }
0x53: {  	_ =	shalt  }
0x54: {  	_ =	shalt  }
0x55: {  	_ =	shalt  }
0x56: {  	_ =	shalt  }
0x57: {  	_ =	shalt  }
0x58: {  	_ =	shalt  }
0x59: {  	_ =	shalt  }
0x5a: {  	_ =	shalt  }
0x5b: {  	_ =	shalt  }
0x5c: {  	_ =	shalt  }
0x5d: {  	_ =	shalt  }
0x5e: {  	_ =	shalt  }
0x5f: {  	_ =	shalt  }
0x60: {  	_ =	shalt  }
0x61: {  	_ =	shalt  }
0x62: {  	_ =	shalt  }
0x63: {  	_ =	shalt  }
0x64: {  	_ =	shalt  }
0x65: {  	_ =	shalt  }
0x66: {  	_ =	shalt  }
0x67: {  	_ =	shalt  }
0x68: {  	_ =	shalt  }
0x69: {  	_ =	shalt  }
0x6a: {  	_ =	shalt  }
0x6b: {  	_ =	shalt  }
0x6c: {  	_ =	shalt  }
0x6d: {  	_ =	shalt  }
0x6e: {  	_ =	shalt  }
0x6f: {  	_ =	shalt  }
0x70: {  	_ =	shalt  }
0x71: {  	_ =	shalt  }
0x72: {  	_ =	shalt  }
0x73: {  	_ =	shalt  }
0x74: {  	_ =	shalt  }
0x75: {  	_ =	shalt  }
0x76: {  	_ =	shalt  }
0x77: {  	_ =	shalt  }
0x78: {  	_ =	shalt  }
0x79: {  	_ =	shalt  }
0x7a: {  	_ =	shalt  }
0x7b: {  	_ =	shalt  }
0x7c: {  	_ =	shalt  }
0x7d: {  	_ =	shalt  }
0x7e: {  	_ =	shalt  }
0x7f: {  	_ =	shalt  }
0x80: {  	_ =	shalt  }
0x81: {  	_ =	shalt  }
0x82: {  	_ =	shalt  }
0x83: {  	_ =	shalt  }
0x84: {  	_ =	shalt  }
0x85: {  	_ =	shalt  }
0x86: {  	_ =	shalt  }
0x87: {  	_ =	shalt  }
.Lfunc_end0:
.L_simem_size_0:
called_computation_lowered:
.L_overlay_start_0:
0x88: {  	s2 =	sld [smem:$0x3FD9]  }
0x89: {  	s3 =	sld [smem:$0x3FFE];
	_ =	sdelay $0x1  }
0x8a: {  	s1 =	srdreg.scid  }
0x8b: {  	s0 =	sand.u32 $0x1, s1  }
0x8c: {  	s14 =	sshll.u32 s0, $0xA;
	s2 =	sadd.s32 s3, s2  }
0x8d: {  	s2 =	sadd.s32 s2, s14  }
0x8e: {  	[smem:$0x3FC4] =	sst s2  }
0x8f: {  	_ = 	snop  }
0x90: {  	s2 =	sld [smem:$0x3FD0];
	_ =	sdelay $0x2  }
0x91: {  	s15 =	simm.s32 $0xA;
	s4 =	simm.s32 $0x10  }
0x92: {  	[smem:s4], [sflag:s15] =	dma.local [hbm:s2], $0x1  }
0x93: {  	_ =	swait.eq [sflag:s15], $0x1  }
0x94: {  	[sflag:s15] =	ssyncset.done $0x0  }
0x95: {  	s16 =	sld [smem:$0x10];
	[sflag:s15] =	ssyncadd.s32 $0xFFFFFFFF  }
0x96: {  	s17 =	sld [smem:$0x11];
	(tm) =	ssettm $0x1  }
0x97: {  	s18 =	sld [smem:$0x3FFB];
	_ =	sdelay $0x3  }
0x98: {  	_ =	strace s18  }
0x99: {  	s4 =	sld [smem:$0x3FFC];
	_ =	sdelay $0x3  }
0x9a: {  	_ =	strace s4  }
0x9b: {  	s4 =	sld [smem:$0x3FFD];
	_ =	sdelay $0x3  }
0x9c: {  	_ =	strace s4  }
0x9d: {  	_ =	strace $0x8FFFFFFF  }
0x9e: {  	s19 =	sld [smem:$0x3FDB];
	_ =	sdelay $0x1  }
0x9f: {  	s5 =	simm.s32 $_scs_section_size  }
0xa0: {  	s6 =	simm.s32 $_size__tile_overlayer_lowered;
	s7 =	simm.s32 $_tile_overlayer_lowered  }
0xa1: {  	s22 =	simm.s32 $0x1BFF;
	s21 =	sshll.u32 s7, $0x1;
	s4 =	sadd.s32 s5, s19  }
0xa2: {  	s8 =	simm.s32 $0x0;
	s20 =	sshll.u32 s6, $0x1;
	s6 =	sadd.s32 s21, s4  }
0xa3: {  	[timem:s8], [sflag:s22] =	dma.local [hbm:s6], s20  }
0xa4: {  	_ =	swait.ge [sflag:s22], s20  }
0xa5: {  	s5 =	ssub.s32 $0x0, s20;
	[sflag:s22] =	ssyncset.done $0x0  }
0xa6: {  	[sflag:s22] =	ssyncadd.s32 s5;
	_ =	sdelay $0x1  }
0xa7: {  	s23 =	simm.s32 $0x1B8B  }
0xa8: {  	_ =	swait.ge [sflag:s23], $0x1  }
0xa9: {  	[sflag:s23] =	ssyncset.done $0x0  }
0xaa: {  	s25 =	simm.s32 $0x1B8E;
	s24 =	sld [smem:$0x3FFE];
	[sflag:s23] =	ssyncadd.s32 $0xFFFFFFFF  }
0xab: {  	s26 =	simm.s32 $execute0_lowered;
	[smem:$0x3FD2] =	sst s25  }
0xac: {  	s6 =	sshll.u32 s26, $0x1;
	_ =	strace $0x80000046;
	[dreg:$0x1] =	wrdreg $0xFFFFFFFF  }
0xad: {  	s28 =	simm.s32 $_size_execute0_lowered;
	s4 =	sadd.s32 s4, s6;
	[dreg:$0x0] =	wrdreg $0x0  }
0xae: {  	s6 =	sshll.u32 s28, $0x1;
	[dreg:$0x2] =	wrdreg s4  }
0xaf: {  	[dreg:$0x3] =	wrdreg s6  }
0xb0: {  	[dreg:$0x4] =	wrdreg $0xC0  }
0xb1: {  	_ =	task [dreg:s8], $0x5FFFF  }
0xb2: {  	[dreg:$0x1] =	wrdreg $0xFFFFFFFF  }
0xb3: {  	[dreg:$0x0] =	wrdreg $0x60  }
0xb4: {  	[dreg:$0x2] =	wrdreg s24  }
0xb5: {  	[dreg:$0x3] =	wrdreg s16  }
0xb6: {  	[dreg:$0x4] =	wrdreg s17  }
0xb7: {  	[dreg:$0x5] =	wrdreg $0x9  }
0xb8: {  	_ =	task.clear_ibuf [dreg:s8], $0x6FFFF;
	_ =	strace $0x90000046  }
0xb9: {  	s29 =	simm.s32 $0x9;
	_ =	strace $0x80000048  }
0xba: {  	_ =	swait.ge [sflag:s29], $0x1  }
0xbb: {  	[sflag:s29] =	ssyncadd.s32 $0xFFFFFFFF  }
0xbc: {  	_ =	strace $0x90000048  }
0xbd: {  	_ =	sfence  }
0xbe: {  	s30 =	sld [smem:$0x0];
	_ =	sdelay $0x2  }
0xbf: {  	s31 =	sshll.u32 s1, $0xD;
	s1 =	sshrl.u32 s1, $0x2  }
0xc0: {  	s3 =	sand.u32 $0x4000, s31;
	s1 =	sadd.s32 s1, s30  }
0xc1: {  	s0 =	sor.u32 s3, s0;
	s1 =	sshll.u32 s1, $0x11  }
0xc2: {  	s0 =	sor.u32 s1, s0  }
0xc3: {  	s0 =	sadd.s32 $0x8F2B, s0  }
0xc4: {  	[sflag:s0] =	ssyncadd.remote.s32 $0x1  }
0xc5: {  	_ =	sfence.sel $0xFFFF  }
0xc6: {  	[dreg:$0x0] =	wrdreg $0xFFFFFFFF;
	(pc) =	sbr.abs _section_cstart, $3  }
0xc7: {  	[dreg:$0x1] =	wrdreg $0xFFFFFFFF  }
0xc8: {  	_ =	task.clear_ibuf [dreg:s8], $0x2FFFF;
	_ =	strace $0x9FFFFFFF  }
0xc9: {  	(tm) =	ssettm $0x7FFFFFFF  }
tec
execute0_lowered:
.L_overlay_start_1:
0x0: {  	(tag) =	ssettag $0x1  }
0x1: {  	s0 =	rddreg [dreg:$0x0];
	v0 =	vlaneseq.u32  }
0x2: {  	s1 =	rddreg [dreg:$0x1];
	s3 =	simm.s32 $0x0;
	v1 =	vmul.u32 $0x88, v0  }
0x3: {  	[smem:$0x7FF] =	sst s3  }
0x4: {  	s2 =	rddreg [dreg:$0x2];
	_ =	strace $0x80000047;
	v0 =	vor.u32 $0x1, v1;
	[tilespmem:$0x1FFE0] =	vst v1  }
0x5: {  	v35 =	vor.u32 $0x2, v1;
	[tilespmem:$0x1FE00] =	vst v0  }
0x6: {  	v36 =	vor.u32 $0x3, v1;
	[tilespmem:$0x1FE10] =	vst v35  }
0x7: {  	v37 =	vor.u32 $0x4, v1;
	[tilespmem:$0x1FE20] =	vst v36  }
0x8: {  	v38 =	vor.u32 $0x5, v1;
	[tilespmem:$0x1FE30] =	vst v37  }
0x9: {  	v39 =	vor.u32 $0x6, v1;
	[tilespmem:$0x1FE40] =	vst v38  }
0xa: {  	v40 =	vor.u32 $0x7, v1;
	[tilespmem:$0x1FE50] =	vst v39  }
0xb: {  	v41 =	vadd.s32 $0x880, v1;
	[tilespmem:$0x1FE60] =	vst v40  }
0xc: {  	v42 =	vadd.s32 $0x1100, v1;
	[tilespmem:$0x1FE70] =	vst v41  }
0xd: {  	v43 =	vadd.s32 $0x1980, v1;
	[tilespmem:$0x1FE80] =	vst v42  }
0xe: {  	v44 =	vadd.s32 $0x881, v1;
	[tilespmem:$0x1FE90] =	vst v43  }
0xf: {  	v45 =	vadd.s32 $0x1101, v1;
	[tilespmem:$0x1FEA0] =	vst v44  }
0x10: {  	v46 =	vadd.s32 $0x1981, v1;
	[tilespmem:$0x1FEB0] =	vst v45  }
0x11: {  	v47 =	vadd.s32 $0x882, v1;
	[tilespmem:$0x1FEC0] =	vst v46  }
0x12: {  	v48 =	vadd.s32 $0x1102, v1;
	[tilespmem:$0x1FED0] =	vst v47  }
0x13: {  	v49 =	vadd.s32 $0x1982, v1;
	[tilespmem:$0x1FEE0] =	vst v48  }
0x14: {  	v50 =	vadd.s32 $0x883, v1;
	[tilespmem:$0x1FEF0] =	vst v49  }
0x15: {  	v51 =	vadd.s32 $0x1103, v1;
	[tilespmem:$0x1FF00] =	vst v50  }
0x16: {  	v52 =	vadd.s32 $0x1983, v1;
	[tilespmem:$0x1FF10] =	vst v51  }
0x17: {  	v53 =	vadd.s32 $0x884, v1;
	[tilespmem:$0x1FF20] =	vst v52  }
0x18: {  	v54 =	vadd.s32 $0x1104, v1;
	[tilespmem:$0x1FF30] =	vst v53  }
0x19: {  	s4 =	srdreg.scid;
	s7 =	stileid.u32;
	s22 =	simm.s32 $0x1;
	v55 =	vadd.s32 $0x1984, v1;
	[tilespmem:$0x1FF40] =	vst v54  }
0x1a: {  	s23 =	simm.s32 $0x5;
	s24 =	simm.s32 $0x8200;
	s28 =	simm.s32 $0xC600;
	v56 =	vadd.s32 $0x885, v1;
	[tilespmem:$0x1FF50] =	vst v55  }
0x1b: {  	s31 =	simm.s32 $0x0;
	s4 =	sand.u32 $0x1, s4;
	s8 =	sshll.u32 s7, $0x1;
	v57 =	vadd.s32 $0x1105, v1;
	[tilespmem:$0x1FF60] =	vst v56  }
0x1c: {  	s5 =	sadd.s32 $0x10400, s0;
	s9 =	ssub.s32 $0x2, s4;
	s4 =	sor.u32 s4, s8;
	v58 =	vadd.s32 $0x1985, v1;
	[tilespmem:$0x1FF70] =	vst v57  }
0x1d: {  	s6 =	sadd.s32 $0xD3A00, s0;
	s7 =	sadd.s32 $0x2400, s0;
	s10 =	sshll.u32 s4, $0x4;
	v59 =	vadd.s32 $0x886, v1;
	[tilespmem:$0x1FF80] =	vst v58  }
0x1e: {  	s8 =	sadd.s32 $0x9400, s0;
	s25 =	sshrl.u32 s9, $0x1;
	v60 =	vadd.s32 $0x1106, v1;
	s26 =	sadd.s32 s7, s10;
	[tilespmem:$0x1FF90] =	vst v59  }
0x1f: {  	v61 =	vadd.s32 $0x1986, v1;
	s29 =	sor.u32 $0x200, s10;
	s30 =	sadd.s32 s8, s10;
	[tilespmem:$0x1FFA0] =	vst v60;
	[dreg:$0x4] =	wrdreg s26  }
0x20: {  	s14 =	sshll.u32 s4, $0x7;
	v62 =	vadd.s32 $0x887, v1;
	[tilespmem:$0x1FFB0] =	vst v61;
	s11 =	sadd.s32 s7, s29;
	[dreg:$0x6] =	wrdreg s30  }
0x21: {  	v2 =	vadd.s32 $0x1107, v1;
	s0 =	ssub.s32 s9, s25;
	[tilespmem:$0x1FFC0] =	vst v62;
	s9 =	sadd.s32 s8, s29;
	[dreg:$0x5] =	wrdreg s11  }
0x22: {  	v63 =	vimm.s32 $0x0;
	vm0 =	vcmask $0x300;
	v1 =	vadd.s32 $0x1987, v1;
	s13 =	sor.u32 $0x400, s10;
	[tilespmem:$0x1FFD0] =	vst v2;
	s0 =	smax.u32 s0, $0x1;
	[dreg:$0x7] =	wrdreg s9  }
0x23: {  	v32 =	vsel vm0, $0x3, v63;
	s25 =	simm.s32 $0x2;
	[tilespmem:$0x1FFF0] =	vst v1;
	s26 =	simm.s32 $0x6;
	[dreg:$0x8] =	wrdreg s0  }
.LBB2_1:
0x24: {  	s0 =	rddreg [dreg:$0x4];
	s4 =	simm.s32 $0x7  }
0x25: {  	[tilespmem:s3], [sflag:$0x7] =	stream.linear.gather [hbm4b:s0+s3], $0x80, $0x38;
	[tilespmem:$0x10A00] =	vst v63  }
0x26: {  	_ =	swait.ge [sflag:s4], $0x80  }
0x27: {  	[sflag:s4] =	ssyncset.done $0x0  }
0x28: {  	s9 =	simm.s32 $0x80;
	s18 =	simm.s32 $0x200;
	[sflag:s4] =	ssyncadd.s32 $0xFFFFFF80  }
0x29: {  	[tilespmem:s18], [sflag:$0x1] =	stream.indirect.gather [hbm4b:s5+s9], $0x40, s3, s9, $0xb8;
	[tilespmem:$0x10A00] =	vst v63  }
0x2a: {  	s19 =	rddreg [dreg:$0x5]  }
0x2b: {  	[tilespmem:s9], [sflag:$0x5] =	stream.linear.gather [hbm4b:s19+s3], $0x80, $0x38;
	[tilespmem:$0x10A00] =	vst v63  }
0x2c: {  	s10 =	simm.s32 $0x100;
	s20 =	rddreg [dreg:$0x6]  }
0x2d: {  	[tilespmem:s10], [sflag:$0x7] =	stream.linear.gather [hbm4b:s20+s3], $0x80, $0x38;
	[tilespmem:$0x10A00] =	vst v63  }
0x2e: {  	_ =	swait.ge [sflag:s4], $0x80  }
0x2f: {  	[sflag:s4] =	ssyncset.done $0x0  }
0x30: {  	s21 =	simm.s32 $0x4200;
	s30 =	simm.s32 $0x180;
	[sflag:s4] =	ssyncadd.s32 $0xFFFFFF80  }
0x31: {  	[tilespmem:s21], [sflag:$0x2] =	stream.indirect.gather [hbm4b:s6+s9], $0x40, s10, s9, $0xb8;
	[tilespmem:$0x10A00] =	vst v63  }
0x32: {  	p0 =	por $0x0, $0x0;
	s0 =	simm.s32 $0x0;
	s29 =	rddreg [dreg:$0x7]  }
0x33: {  	[tilespmem:s30], [sflag:$0x6] =	stream.linear.gather [hbm4b:s29+s3], $0x80, $0x38;
	[tilespmem:$0x10A00] =	vst v63  }
.LBB2_3:
0x34: {  	s4 =	sand.u32 $0x1, s0;
	_ =	swait.ge [sflag:s22], $0x2000  }
0x35: {  	p1 =	seq.s32 s0, $0x0;
	v0 =	vmov s4;
	[sflag:s22] =	ssyncset.done $0x0  }
0x36: {  	s9 =	simm.s32 @!p1 $0x3;
	v0 =	vmul.u32 $0x2200, v0;
	[sflag:s22] =	ssyncadd.s32 $0xFFFFE000  }
0x37: {  	_ =	swait.ge @!p1 [sflag:s9], $0x2000  }
0x38: {  	v54 =	vbroadcast v0, $0x0;
	v0 =	vld [tilespmem:$0x1FFE0];
	_ =	sdelay $0x4  }
0x39: {  	v49 =	vadd.s32 v0, v54;
	v0 =	vld [tilespmem:$0x1FE00];
	_ =	sdelay $0x4  }
0x3a: {  	v48 =	vadd.s32 v0, v54;
	v0 =	vld [tilespmem:$0x1FE10];
	_ =	sdelay $0x4  }
0x3b: {  	v37 =	vadd.s32 v0, v54;
	v0 =	vld [tilespmem:$0x1FE20];
	_ =	sdelay $0x1  }
0x3c: {  	[sflag:s9] =	ssyncset.done @!p1 $0x0  }
0x3d: {  	[sflag:s9] =	ssyncadd.s32 @!p1 $0xFFFFE000  }
0x3e: {  	_ =	swait.ge [sflag:s23], $0x80  }
0x3f: {  	v36 =	vadd.s32 v0, v54;
	v0 =	vld [tilespmem:$0x1FE30];
	_ =	sdelay $0x4  }
0x40: {  	v35 =	vadd.s32 v0, v54;
	v0 =	vld [tilespmem:$0x1FE40];
	_ =	sdelay $0x4  }
0x41: {  	v34 =	vadd.s32 v0, v54;
	v0 =	vld [tilespmem:$0x1FE50];
	_ =	sdelay $0x4  }
0x42: {  	v33 =	vadd.s32 v0, v54;
	v0 =	vld [tilespmem:$0x1FE60];
	_ =	sdelay $0x3  }
0x43: {  	s10 =	smov.u32 s0;
	s0 =	simm.s32 $0x1;
	s21 =	simm.s32 $0x0  }
0x44: {  	s29 =	simm.s32 $0x1;
	s30 =	simm.s32 $0x2;
	s12 =	simm.s32 $0x3;
	v51 =	vadd.s32 v0, v54;
	v0 =	vld [tilespmem:$0x1FFC0]  }
0x45: {  	s15 =	simm.s32 $0x4;
	s16 =	simm.s32 $0x6;
	s17 =	simm.s32 $0x7;
	v2 =	vmov s30;
	v3 =	vmov s12  }
0x46: {  	s19 =	simm.s32 $0x9;
	s20 =	simm.s32 $0xA;
	s12 =	simm.s32 $0x5;
	v4 =	vmov s15;
	v6 =	vmov s16;
	v7 =	vmov s17  }
0x47: {  	s0 =	simm.s32 @!p0 $0x0;
	s11 =	sshll.u32 s10, $0x9;
	v9 =	vmov s19;
	v10 =	vmov s20;
	s15 =	simm.s32 $0xE;
	v5 =	vmov s12;
	v1 =	vld [tilespmem:$0x1FFD0]  }
0x48: {  	s16 =	simm.s32 $0xF;
	p2 =	seq.s32 s10, $0x31;
	s20 =	sadd.s32 s13, s11;
	v18 =	vmov s15;
	v11 =	vshrl.u32 v2, $0x3;
	v3 =	vshrl.u32 v3, $0x3  }
0x49: {  	v2 =	vmov s16;
	s11 =	sadd.s32 s7, s20;
	[sflag:s23] =	ssyncset.done $0x0;
	v31 =	vadd.s32 v0, v54;
	v0 =	vmov s21;
	s21 =	simm.s32 $0xB  }
0x4a: {  	v4 =	vshrl.u32 v4, $0x3;
	v2 =	vshrl.u32 v2, $0x3;
	[sflag:s23] =	ssyncadd.s32 $0xFFFFFF80;
	v12 =	vmov s21;
	s21 =	sshll.u32 s4, $0x7;
	s4 =	sxor.u32 $0x1, s4  }
0x4b: {  	v6 =	vshrl.u32 v6, $0x3;
	v19 =	vshrl.u32 v9, $0x3;
	v2 =	vshll.u32 v2, v32;
	[tilespmem:s21], [sflag:$0x5] =	stream.linear.gather [hbm4b:s11+s3], $0x80, $0x38;
	[tilespmem:$0x10A00] =	vst v63  }
0x4c: {  	s15 =	simm.s32 @!p2 $0x80;
	v30 =	vadd.s32 v1, v54;
	v1 =	vmov s29;
	v0 =	vshrl.u32 v0, $0x3;
	s11 =	sshll.u32 s0, $0xD;
	s19 =	sshll.u32 @!p2 s4, $0xD  }
0x4d: {  	v20 =	vbroadcast v2, $0x0;
	v1 =	vshrl.u32 v1, $0x3;
	v0 =	vshll.u32 v0, v32;
	s9 =	sshll.u32 s4, $0x7;
	s12 =	sor.u32 $0x400, s11;
	s4 =	sor.u32 @!p2 $0x200, s19  }
0x4e: {  	v21 =	vshrl.u32 v10, $0x3;
	v2 =	vbroadcast v0, $0x0;
	v0 =	vshll.u32 v1, v32;
	[tilespmem:s4], [sflag:$0x1] =	stream.indirect.gather @!p2 [hbm4b:s5+s15], $0x40, s9, s15, $0xb8;
	[tilespmem:$0x10A00] =	vst v63  }
0x4f: {  	v9 =	vadd.s32 v51, v20;
	v16 =	vbroadcast v0, $0x0;
	v0 =	vshll.u32 v11, v32;
	v1 =	vld [tilespmem:s12+$0x1C0]  }
0x50: {  	v10 =	vld [tilespmem:s12+$0xFFFFFE00];
	v22 =	vadd.s32 v49, v2;
	v15 =	vbroadcast v0, $0x0;
	v0 =	vshll.u32 v3, v32  }
0x51: {  	v3 =	vld [tilespmem:s12+$0xFFFFFE40];
	v23 =	vadd.s32 v48, v16;
	v14 =	vbroadcast v0, $0x0;
	v0 =	vshll.u32 v4, v32  }
0x52: {  	v5 =	vshrl.u32 v5, $0x3;
	v4 =	vld [tilespmem:s12+$0xFFFFFE80];
	v24 =	vadd.s32 v37, v15;
	v11 =	vbroadcast v0, $0x0  }
0x53: {  	v5 =	vshll.u32 v5, v32;
	v25 =	vld [tilespmem:s12+$0xFFFFFEC0];
	v0 =	vshrl.u32 v12, $0x3;
	v26 =	vadd.s32 v36, v14  }
0x54: {  	v28 =	vld [tilespmem:s12+$0xFFFFFF00];
	v12 =	vbroadcast v5, $0x0;
	v5 =	vshll.u32 v6, v32;
	v29 =	vadd.s32 v35, v11;
	[tilespmem:v9+s24+$0x0] =	vst.idx.msk $0xffff, v1  }
0x55: {  	s18 =	simm.s32 $0x8;
	v7 =	vshrl.u32 v7, $0x3;
	v6 =	vadd.s32 v31, v20;
	v40 =	vbroadcast v5, $0x0;
	[tilespmem:v22+s24+$0x0] =	vst.idx.msk $0xffff, v10;
	v5 =	vld [tilespmem:s12+$0x1D0]  }
0x56: {  	v8 =	vmov s18;
	v1 =	vshll.u32 v7, v32;
	v22 =	vadd.s32 v34, v12;
	[tilespmem:v23+s24+$0x0] =	vst.idx.msk $0xffff, v3;
	v3 =	vld [tilespmem:s12+$0xFFFFFF40]  }
0x57: {  	v8 =	vshrl.u32 v8, $0x3;
	v9 =	vbroadcast v1, $0x0;
	v23 =	vadd.s32 v33, v40;
	[tilespmem:v24+s24+$0x0] =	vst.idx.msk $0xffff, v4;
	v4 =	vld [tilespmem:s12+$0xFFFFFF80]  }
0x58: {  	v1 =	vshll.u32 v8, v32;
	[tilespmem:v26+s24+$0x0] =	vst.idx.msk $0xffff, v25  }
0x59: {  	s30 =	simm.s32 $0xD;
	v47 =	vbroadcast v1, $0x0;
	v1 =	vshll.u32 v19, v32;
	v19 =	vld [tilespmem:s12+$0xFFFFFFC0];
	v24 =	vadd.s32 v51, v9;
	[tilespmem:v29+s24+$0x0] =	vst.idx.msk $0xffff, v28  }
0x5a: {  	v17 =	vmov s30;
	v8 =	vshll.u32 v21, v32;
	v21 =	vld [tilespmem:s12+$0x40];
	[tilespmem:v6+s24+$0x0] =	vst.idx.msk $0xffff, v5  }
0x5b: {  	s29 =	simm.s32 $0xC;
	v38 =	vbroadcast v1, $0x0;
	v1 =	vshrl.u32 v17, $0x3;
	v17 =	vld [tilespmem:s12+$0x0];
	v25 =	vadd.s32 v49, v47;
	[tilespmem:v22+s24+$0x0] =	vst.idx.msk $0xffff, v3  }
0x5c: {  	v13 =	vmov s29;
	v22 =	vld [tilespmem:s12+$0x1E0];
	[tilespmem:v23+s24+$0x0] =	vst.idx.msk $0xffff, v4  }
0x5d: {  	v27 =	vshrl.u32 v13, $0x3;
	v0 =	vshll.u32 v0, v32;
	v26 =	vadd.s32 v48, v38;
	v23 =	vld [tilespmem:s12+$0x80];
	[tilespmem:$0x1FD80] =	vst v37  }
0x5e: {  	v3 =	vbroadcast v0, $0x0;
	v0 =	vshll.u32 v27, v32;
	[tilespmem:v24+s24+$0x0] =	vst.idx.msk $0xffff, v19  }
0x5f: {  	v4 =	vbroadcast v0, $0x0;
	v0 =	vshll.u32 v1, v32;
	v1 =	vld [tilespmem:s12+$0xC0];
	[tilespmem:$0x1FD90] =	vst v36  }
0x60: {  	[tilespmem:v25+s24+$0x0] =	vst.idx.msk $0xffff, v17  }
0x61: {  	v17 =	vld [tilespmem:s12+$0x100];
	[tilespmem:$0x1FDA0] =	vst v35  }
0x62: {  	v27 =	vadd.s32 v30, v20;
	[tilespmem:v26+s24+$0x0] =	vst.idx.msk $0xffff, v21  }
0x63: {  	v18 =	vshrl.u32 v18, $0x3;
	v7 =	vld [tilespmem:$0x1FFF0]  }
0x64: {  	v5 =	vbroadcast v0, $0x0;
	v0 =	vshll.u32 v18, v32  }
0x65: {  	v39 =	vbroadcast v8, $0x0;
	v6 =	vbroadcast v0, $0x0;
	v0 =	vld [tilespmem:s12+$0x140];
	[tilespmem:$0x1FDB0] =	vst v34  }
0x66: {  	v24 =	vld [tilespmem:s12+$0x180];
	[tilespmem:$0x1FDC0] =	vst v33  }
0x67: {  	v28 =	vadd.s32 v37, v39;
	[tilespmem:v27+s24+$0x0] =	vst.idx.msk $0xffff, v22  }
0x68: {  	v50 =	vadd.s32 v7, v54;
	v7 =	vld [tilespmem:$0x1FEA0];
	_ =	sdelay $0x2  }
0x69: {  	v19 =	vadd.s32 v36, v3  }
0x6a: {  	v18 =	vadd.s32 v35, v4;
	[tilespmem:v28+s24+$0x0] =	vst.idx.msk $0xffff, v23  }
0x6b: {  	v56 =	vadd.s32 v7, v54;
	v7 =	vld [tilespmem:$0x1FED0];
	_ =	sdelay $0x2  }
0x6c: {  	v21 =	vadd.s32 v34, v5;
	[tilespmem:v19+s24+$0x0] =	vst.idx.msk $0xffff, v1  }
0x6d: {  	v25 =	vadd.s32 v33, v6;
	v1 =	vld [tilespmem:$0x1FF00];
	[tilespmem:v18+s24+$0x0] =	vst.idx.msk $0xffff, v17  }
0x6e: {  	v58 =	vadd.s32 v7, v54;
	v7 =	vld [tilespmem:$0x1FF30];
	_ =	sdelay $0x1  }
0x6f: {  	v22 =	vld [tilespmem:s12+$0x1F0]  }
0x70: {  	v23 =	vld [tilespmem:s12+$0xFFFFFE50];
	v20 =	vadd.s32 v50, v20;
	[tilespmem:v21+s24+$0x0] =	vst.idx.msk $0xffff, v0  }
0x71: {  	v26 =	vadd.s32 v56, v16;
	v0 =	vld [tilespmem:$0x1FF60];
	[tilespmem:v25+s24+$0x0] =	vst.idx.msk $0xffff, v24  }
0x72: {  	v61 =	vadd.s32 v7, v54;
	v7 =	vld [tilespmem:$0x1FF90];
	_ =	sdelay $0x2  }
0x73: {  	v60 =	vadd.s32 v1, v54;
	v1 =	vld [tilespmem:s12+$0xFFFFFE90];
	v19 =	vadd.s32 v58, v15;
	[tilespmem:v20+s24+$0x0] =	vst.idx.msk $0xffff, v22  }
0x74: {  	[tilespmem:v26+s24+$0x0] =	vst.idx.msk $0xffff, v23;
	v63 =	vadd.s32 v0, v54;
	v0 =	vld [tilespmem:s12+$0xFFFFFF10]  }
0x75: {  	v21 =	vadd.s32 v61, v11;
	v8 =	vadd.s32 v7, v54;
	v7 =	vld [tilespmem:$0x1FE70]  }
0x76: {  	v17 =	vld [tilespmem:s12+$0xFFFFFED0];
	v18 =	vadd.s32 v60, v14  }
0x77: {  	v24 =	vld [tilespmem:s12+$0xFFFFFF50];
	v25 =	vadd.s32 v63, v12  }
0x78: {  	[tilespmem:v19+s24+$0x0] =	vst.idx.msk $0xffff, v1;
	v1 =	vld [tilespmem:s12+$0xFFFFFFD0];
	v19 =	vadd.s32 v31, v9  }
0x79: {  	v20 =	vld [tilespmem:s12+$0xFFFFFF90];
	v22 =	vadd.s32 v8, v40;
	[tilespmem:$0x1FDD0] =	vst v31  }
0x7a: {  	[tilespmem:v21+s24+$0x0] =	vst.idx.msk $0xffff, v0;
	v0 =	vld [tilespmem:s12+$0x50];
	v21 =	vadd.s32 v56, v38;
	v43 =	vadd.s32 v7, v54  }
0x7b: {  	[tilespmem:v18+s24+$0x0] =	vst.idx.msk $0xffff, v17;
	v17 =	vld [tilespmem:s12+$0x10];
	v18 =	vadd.s32 v43, v47  }
0x7c: {  	[tilespmem:v25+s24+$0x0] =	vst.idx.msk $0xffff, v24  }
0x7d: {  	[tilespmem:v19+s24+$0x0] =	vst.idx.msk $0xffff, v1  }
0x7e: {  	[tilespmem:v22+s24+$0x0] =	vst.idx.msk $0xffff, v20  }
0x7f: {  	[tilespmem:v21+s24+$0x0] =	vst.idx.msk $0xffff, v0  }
0x80: {  	v23 =	vld [tilespmem:s12+$0x90];
	v24 =	vadd.s32 v58, v39;
	[tilespmem:v18+s24+$0x0] =	vst.idx.msk $0xffff, v17  }
0x81: {  	v7 =	vld [tilespmem:$0x1FEB0];
	_ =	sdelay $0x2  }
0x82: {  	v1 =	vld [tilespmem:s12+$0x110]  }
0x83: {  	v20 =	vld [tilespmem:s12+$0xD0];
	v22 =	vadd.s32 v60, v3;
	[tilespmem:v24+s24+$0x0] =	vst.idx.msk $0xffff, v23  }
0x84: {  	v19 =	vadd.s32 v61, v4;
	v33 =	vadd.s32 v7, v54;
	v7 =	vld [tilespmem:$0x1FEE0];
	_ =	sdelay $0x3  }
0x85: {  	v17 =	vld [tilespmem:s12+$0x150];
	[tilespmem:v22+s24+$0x0] =	vst.idx.msk $0xffff, v20  }
0x86: {  	v18 =	vadd.s32 v63, v5;
	v41 =	vadd.s32 v7, v54;
	v7 =	vld [tilespmem:$0x1FF10];
	[tilespmem:v19+s24+$0x0] =	vst.idx.msk $0xffff, v1  }
0x87: {  	v1 =	vld [tilespmem:$0x1FF40]  }
0x88: {  	v25 =	vld [tilespmem:s12+$0xFFFFFE10]  }
0x89: {  	v0 =	vld [tilespmem:s12+$0x190];
	v21 =	vadd.s32 v8, v6  }
0x8a: {  	v26 =	vadd.s32 v43, v2;
	v23 =	vld [tilespmem:s12+$0xFFFFFE60]  }
0x8b: {  	v20 =	vld [tilespmem:s12+$0xFFFFFEA0];
	v24 =	vadd.s32 v33, v16;
	[tilespmem:v18+s24+$0x0] =	vst.idx.msk $0xffff, v17  }
0x8c: {  	v22 =	vadd.s32 v41, v15;
	v44 =	vadd.s32 v1, v54;
	v1 =	vld [tilespmem:$0x1FF70];
	_ =	sdelay $0x1  }
0x8d: {  	v19 =	vld [tilespmem:s12+$0xFFFFFEE0];
	[tilespmem:v21+s24+$0x0] =	vst.idx.msk $0xffff, v0  }
0x8e: {  	v0 =	vld [tilespmem:$0x1FFA0];
	[tilespmem:v26+s24+$0x0] =	vst.idx.msk $0xffff, v25  }
0x8f: {  	v17 =	vld [tilespmem:s12+$0xFFFFFF20];
	v36 =	vadd.s32 v7, v54;
	[tilespmem:v24+s24+$0x0] =	vst.idx.msk $0xffff, v23  }
0x90: {  	v27 =	vadd.s32 v36, v14;
	v42 =	vadd.s32 v1, v54;
	v1 =	vld [tilespmem:$0x1FE80];
	[tilespmem:v22+s24+$0x0] =	vst.idx.msk $0xffff, v20  }
0x91: {  	v7 =	vld [tilespmem:$0x1FE90]  }
0x92: {  	v23 =	vld [tilespmem:s12+$0xFFFFFFA0]  }
0x93: {  	v20 =	vld [tilespmem:s12+$0xFFFFFFE0]  }
0x94: {  	v45 =	vadd.s32 v0, v54;
	v0 =	vld [tilespmem:s12+$0xFFFFFF60];
	[tilespmem:$0x1FDE0] =	vst v30  }
0x95: {  	v18 =	vadd.s32 v44, v11;
	[tilespmem:v27+s24+$0x0] =	vst.idx.msk $0xffff, v19  }
0x96: {  	v52 =	vadd.s32 v7, v54;
	v7 =	vld [tilespmem:$0x1FEC0];
	_ =	sdelay $0x3  }
0x97: {  	v21 =	vadd.s32 v42, v12;
	[tilespmem:v18+s24+$0x0] =	vst.idx.msk $0xffff, v17  }
0x98: {  	v53 =	vadd.s32 v7, v54;
	v7 =	vld [tilespmem:$0x1FEF0];
	_ =	sdelay $0x3  }
0x99: {  	v24 =	vadd.s32 v45, v40;
	[tilespmem:v21+s24+$0x0] =	vst.idx.msk $0xffff, v0  }
0x9a: {  	v46 =	vadd.s32 v1, v54;
	v1 =	vmov v8;
	v8 =	vadd.s32 v7, v54;
	v7 =	vld [tilespmem:$0x1FF20];
	_ =	sdelay $0x3  }
0x9b: {  	v22 =	vadd.s32 v30, v9;
	[tilespmem:v24+s24+$0x0] =	vst.idx.msk $0xffff, v23  }
0x9c: {  	v55 =	vadd.s32 v7, v54;
	v7 =	vld [tilespmem:$0x1FF50]  }
0x9d: {  	s17 =	simm.s32 $0x10  }
0x9e: {  	v26 =	vmov s17;
	v19 =	vld [tilespmem:s12+$0x20]  }
0x9f: {  	v28 =	vshrl.u32 v26, $0x3;
	v26 =	vld [tilespmem:s12+$0xFFFFFE20]  }
0xa0: {  	v25 =	vadd.s32 v46, v47;
	v17 =	vld [tilespmem:s12+$0x60];
	[tilespmem:v22+s24+$0x0] =	vst.idx.msk $0xffff, v20  }
0xa1: {  	v18 =	vadd.s32 v33, v38;
	v57 =	vadd.s32 v7, v54;
	v7 =	vld [tilespmem:$0x1FF80]  }
0xa2: {  	v0 =	vld [tilespmem:s12+$0xA0];
	v21 =	vadd.s32 v41, v39  }
0xa3: {  	v23 =	vld [tilespmem:s12+$0xE0];
	v24 =	vadd.s32 v36, v3  }
0xa4: {  	v20 =	vld [tilespmem:s12+$0x120];
	v22 =	vadd.s32 v44, v4  }
0xa5: {  	[tilespmem:v25+s24+$0x0] =	vst.idx.msk $0xffff, v19;
	v19 =	vld [tilespmem:s12+$0x160];
	v25 =	vadd.s32 v42, v5  }
0xa6: {  	v27 =	vadd.s32 v46, v2;
	v59 =	vadd.s32 v7, v54;
	v7 =	vld [tilespmem:$0x1FFB0];
	[tilespmem:v18+s24+$0x0] =	vst.idx.msk $0xffff, v17  }
0xa7: {  	s15 =	simm.s32 $0x14;
	v29 =	vld [tilespmem:s12+$0xFFFFFE70];
	v16 =	vadd.s32 v53, v16;
	[tilespmem:v21+s24+$0x0] =	vst.idx.msk $0xffff, v0  }
0xa8: {  	s30 =	simm.s32 $0x13;
	s16 =	simm.s32 $0x15;
	v13 =	vmov s15;
	v17 =	vld [tilespmem:s12+$0x1A0];
	v18 =	vadd.s32 v45, v6;
	[tilespmem:v24+s24+$0x0] =	vst.idx.msk $0xffff, v23  }
0xa9: {  	s18 =	simm.s32 $0x11;
	v35 =	vmov s16;
	v31 =	vmov s30;
	s17 =	simm.s32 $0x16;
	v23 =	vld [tilespmem:s12+$0xFFFFFEB0];
	v24 =	vadd.s32 v8, v15;
	[tilespmem:v22+s24+$0x0] =	vst.idx.msk $0xffff, v20  }
0xaa: {  	s29 =	simm.s32 $0x12;
	v10 =	vmovc v12;
	v34 =	vmovc v9;
	v37 =	vmov s17;
	v30 =	vmov s18;
	v9 =	vld [tilespmem:s12+$0xFFFFFEF0];
	v0 =	vadd.s32 v55, v14;
	[tilespmem:v25+s24+$0x0] =	vst.idx.msk $0xffff, v19  }
0xab: {  	v12 =	vmov s29;
	s18 =	simm.s32 $0x17;
	s29 =	simm.s32 $0x18;
	[tilespmem:v27+s24+$0x0] =	vst.idx.msk $0xffff, v26;
	v62 =	vadd.s32 v7, v54;
	v54 =	vmovc v8;
	v8 =	vld [tilespmem:s12+$0xFFFFFF30];
	v7 =	vadd.s32 v57, v11  }
0xac: {  	s16 =	simm.s32 $0x1A;
	s30 =	simm.s32 $0x19;
	s17 =	simm.s32 $0x1B;
	v21 =	vmov s18;
	v22 =	vmov s29;
	[tilespmem:v16+s24+$0x0] =	vst.idx.msk $0xffff, v29;
	v10 =	vadd.s32 v59, v10;
	v11 =	vld [tilespmem:s12+$0xFFFFFF70]  }
0xad: {  	v14 =	vmov s30;
	v15 =	vmov s16;
	v19 =	vmov s17;
	[tilespmem:v18+s24+$0x0] =	vst.idx.msk $0xffff, v17  }
0xae: {  	s0 =	smul.u32 $0x8800, s0;
	s18 =	simm.s32 $0x1C;
	s29 =	simm.s32 $0x1D;
	v26 =	vld [tilespmem:s12+$0xFFFFFFB0];
	v29 =	vadd.s32 v50, v34;
	v25 =	vshrl.u32 v30, $0x3;
	v30 =	vadd.s32 v52, v47;
	[tilespmem:v24+s24+$0x0] =	vst.idx.msk $0xffff, v23  }
0xaf: {  	s30 =	simm.s32 $0x1E;
	v20 =	vmov s18;
	v17 =	vmov s29;
	v23 =	vshll.u32 v28, v32;
	v28 =	vld [tilespmem:s12+$0xFFFFFFF0];
	[tilespmem:v0+s24+$0x0] =	vst.idx.msk $0xffff, v9  }
0xb0: {  	s0 =	sshrl.u32 s0, $0x2;
	v18 =	vmov s30;
	v24 =	vshrl.u32 v12, $0x3;
	v0 =	vld [tilespmem:s12+$0x30];
	v9 =	vshrl.u32 v31, $0x3;
	[tilespmem:v7+s24+$0x0] =	vst.idx.msk $0xffff, v8  }
0xb1: {  	s4 =	sadd.s32 $0xC600, s0;
	s15 =	simm.s32 $0x20;
	s17 =	simm.s32 $0x1F;
	v12 =	vshrl.u32 v13, $0x3;
	v31 =	vld [tilespmem:s12+$0x70];
	v13 =	vadd.s32 v53, v38;
	v27 =	vadd.s32 v62, v40;
	[tilespmem:v10+s24+$0x0] =	vst.idx.msk $0xffff, v11  }
0xb2: {  	s18 =	sor.u32 $0x4400, s11;
	s11 =	sadd.s32 $0x8200, s0;
	s0 =	sadd.s32 $0x1, s10;
	v10 =	vshrl.u32 v35, $0x3;
	v11 =	vshrl.u32 v37, $0x3;
	v7 =	vld [tilespmem:s12+$0xB0];
	v8 =	vadd.s32 v54, v39;
	[tilespmem:$0x1FDF0] =	vst v41  }
.LBB2_4:
0xb3: {  	v39 =	vld [tilespmem:$0x1FD80]  }
0xb4: {  	v38 =	vld [tilespmem:$0x1FD90]  }
0xb5: {  	v37 =	vld [tilespmem:$0x1FDA0]  }
0xb6: {  	v35 =	vld [tilespmem:$0x1FDB0]  }
0xb7: {  	v34 =	vld [tilespmem:$0x1FDC0]  }
0xb8: {  	[tilespmem:v27+s24+$0x0] =	vst.idx.msk $0xffff, v26;
	v26 =	vld [tilespmem:s12+$0xF0]  }
0xb9: {  	v27 =	vld [tilespmem:s12+$0x130]  }
0xba: {  	v16 =	vshrl.u32 v21, $0x3;
	v21 =	vmov s17;
	v3 =	vadd.s32 v55, v3;
	[tilespmem:v30+s24+$0x0] =	vst.idx.msk $0xffff, v0;
	v0 =	vld [tilespmem:s12+$0x170]  }
0xbb: {  	v22 =	vshrl.u32 v22, $0x3;
	v4 =	vadd.s32 v57, v4;
	v21 =	vshrl.u32 v21, $0x3;
	[tilespmem:v13+s24+$0x0] =	vst.idx.msk $0xffff, v31;
	v13 =	vld [tilespmem:s12+$0x1B0]  }
0xbc: {  	v5 =	vadd.s32 v59, v5;
	[tilespmem:v29+s24+$0x0] =	vst.idx.msk $0xffff, v28;
	v28 =	vshrl.u32 v14, $0x3;
	v14 =	vshll.u32 v21, v32;
	v31 =	vld [tilespmem:$0x1FDD0]  }
0xbd: {  	v6 =	vadd.s32 v62, v6;
	v29 =	vbroadcast v14, $0x0;
	v14 =	vshll.u32 v25, v32;
	v25 =	vld [tilespmem:s12+$0xFFFFFE30];
	s12 =	sadd.s32 $0x400, s12  }
0xbe: {  	v21 =	vshrl.u32 v15, $0x3;
	v30 =	vadd.s32 v52, v2;
	v2 =	vbroadcast v23, $0x0;
	[tilespmem:v8+s24+$0x0] =	vst.idx.msk $0xffff, v7;
	v8 =	vld [tilespmem:s12+$0x1C0]  }
0xbf: {  	v7 =	vshll.u32 v24, v32;
	v14 =	vbroadcast v14, $0x0;
	v23 =	vadd.s32 v51, v29;
	[tilespmem:v3+s24+$0x0] =	vst.idx.msk $0xffff, v26;
	v3 =	vld [tilespmem:s12+$0xFFFFFE00]  }
0xc0: {  	v15 =	vbroadcast v7, $0x0;
	v7 =	vshll.u32 v9, v32;
	v24 =	vadd.s32 v49, v2;
	[tilespmem:v4+s24+$0x0] =	vst.idx.msk $0xffff, v27;
	v4 =	vld [tilespmem:s12+$0xFFFFFE40]  }
0xc1: {  	v9 =	vbroadcast v7, $0x0;
	v7 =	vshll.u32 v12, v32;
	v26 =	vadd.s32 v48, v14;
	[tilespmem:v5+s24+$0x0] =	vst.idx.msk $0xffff, v0;
	v0 =	vld [tilespmem:s12+$0xFFFFFE80]  }
0xc2: {  	v19 =	vshrl.u32 v19, $0x3;
	v7 =	vbroadcast v7, $0x0;
	v5 =	vadd.s32 v39, v15;
	[tilespmem:v6+s24+$0x0] =	vst.idx.msk $0xffff, v13;
	v6 =	vld [tilespmem:s12+$0xFFFFFEC0]  }
0xc3: {  	v10 =	vshll.u32 v10, v32;
	v20 =	vshrl.u32 v20, $0x3;
	v13 =	vadd.s32 v38, v9;
	[tilespmem:v30+s24+$0x0] =	vst.idx.msk $0xffff, v25;
	v25 =	vld [tilespmem:s12+$0xFFFFFF00]  }
0xc4: {  	v11 =	vshll.u32 v11, v32;
	v10 =	vbroadcast v10, $0x0;
	v27 =	vadd.s32 v37, v7;
	v30 =	vld [tilespmem:$0x1FDE0];
	[tilespmem:v23+s24+$0x0] =	vst.idx.msk $0xffff, v8  }
0xc5: {  	v8 =	vbroadcast v11, $0x0;
	v23 =	vld [tilespmem:s12+$0x1D0];
	[tilespmem:v24+s24+$0x0] =	vst.idx.msk $0xffff, v3;
	v3 =	vshll.u32 v16, v32;
	v24 =	vadd.s32 v31, v29  }
0xc6: {  	[tilespmem:v26+s24+$0x0] =	vst.idx.msk $0xffff, v4;
	v4 =	vld [tilespmem:s12+$0xFFFFFF40];
	v26 =	vadd.s32 v35, v10;
	v11 =	vbroadcast v3, $0x0;
	v3 =	vshll.u32 v22, v32  }
0xc7: {  	[tilespmem:v5+s24+$0x0] =	vst.idx.msk $0xffff, v0;
	v0 =	vld [tilespmem:s12+$0xFFFFFF80];
	v5 =	vadd.s32 v34, v8;
	v12 =	vbroadcast v3, $0x0;
	v3 =	vshll.u32 v28, v32  }
0xc8: {  	v17 =	vshrl.u32 v17, $0x3;
	[tilespmem:v13+s24+$0x0] =	vst.idx.msk $0xffff, v6;
	v6 =	vld [tilespmem:s12+$0xFFFFFFC0];
	v22 =	vadd.s32 v51, v11;
	v13 =	vbroadcast v3, $0x0  }
0xc9: {  	v18 =	vshrl.u32 v18, $0x3;
	[tilespmem:v27+s24+$0x0] =	vst.idx.msk $0xffff, v25;
	v25 =	vld [tilespmem:s12+$0x0];
	v3 =	vshll.u32 v21, v32;
	v27 =	vadd.s32 v49, v12  }
0xca: {  	v21 =	vld [tilespmem:s12+$0x40];
	v16 =	vbroadcast v3, $0x0;
	v3 =	vshll.u32 v19, v32;
	v28 =	vadd.s32 v48, v13;
	[tilespmem:v24+s24+$0x0] =	vst.idx.msk $0xffff, v23  }
0xcb: {  	[tilespmem:v26+s24+$0x0] =	vst.idx.msk $0xffff, v4;
	v3 =	vbroadcast v3, $0x0;
	v4 =	vshll.u32 v20, v32;
	v20 =	vadd.s32 v30, v29;
	v19 =	vld [tilespmem:s12+$0x1E0]  }
0xcc: {  	[tilespmem:v5+s24+$0x0] =	vst.idx.msk $0xffff, v0;
	v0 =	vld [tilespmem:s12+$0x80];
	v5 =	vshll.u32 v17, v32;
	v23 =	vadd.s32 v39, v16;
	v4 =	vbroadcast v4, $0x0  }
0xcd: {  	v17 =	vld [tilespmem:s12+$0xC0];
	v5 =	vbroadcast v5, $0x0;
	[tilespmem:v22+s24+$0x0] =	vst.idx.msk $0xffff, v6;
	v22 =	vadd.s32 v38, v3;
	v6 =	vshll.u32 v18, v32  }
0xce: {  	v18 =	vld [tilespmem:s12+$0x100];
	v24 =	vadd.s32 v37, v4;
	[tilespmem:v27+s24+$0x0] =	vst.idx.msk $0xffff, v25;
	v6 =	vbroadcast v6, $0x0  }
0xcf: {  	v25 =	vadd.s32 v35, v5;
	[tilespmem:v28+s24+$0x0] =	vst.idx.msk $0xffff, v21;
	v21 =	vld [tilespmem:s12+$0x140]  }
0xd0: {  	v26 =	vld [tilespmem:s12+$0x180];
	v27 =	vadd.s32 v34, v6;
	[tilespmem:v20+s24+$0x0] =	vst.idx.msk $0xffff, v19  }
0xd1: {  	[tilespmem:v23+s24+$0x0] =	vst.idx.msk $0xffff, v0;
	v20 =	vld [tilespmem:s12+$0xFFFFFE50];
	v23 =	vadd.s32 v56, v14  }
0xd2: {  	v19 =	vadd.s32 v50, v29;
	v0 =	vld [tilespmem:s12+$0x1F0];
	[tilespmem:v22+s24+$0x0] =	vst.idx.msk $0xffff, v17  }
0xd3: {  	v17 =	vld [tilespmem:s12+$0xFFFFFE90];
	v22 =	vadd.s32 v58, v15;
	[tilespmem:v24+s24+$0x0] =	vst.idx.msk $0xffff, v18  }
0xd4: {  	v18 =	vld [tilespmem:s12+$0xFFFFFED0];
	v24 =	vadd.s32 v60, v9;
	[tilespmem:v25+s24+$0x0] =	vst.idx.msk $0xffff, v21  }
0xd5: {  	v21 =	vld [tilespmem:s12+$0xFFFFFF10];
	v25 =	vadd.s32 v61, v7;
	[tilespmem:v27+s24+$0x0] =	vst.idx.msk $0xffff, v26  }
0xd6: {  	v26 =	vld [tilespmem:s12+$0xFFFFFF50];
	v27 =	vadd.s32 v63, v10;
	[tilespmem:v23+s24+$0x0] =	vst.idx.msk $0xffff, v20  }
0xd7: {  	[tilespmem:v19+s24+$0x0] =	vst.idx.msk $0xffff, v0;
	v0 =	vld [tilespmem:s12+$0xFFFFFF90];
	v19 =	vadd.s32 v1, v8  }
0xd8: {  	v20 =	vadd.s32 v31, v11;
	[tilespmem:v22+s24+$0x0] =	vst.idx.msk $0xffff, v17;
	v17 =	vld [tilespmem:s12+$0xFFFFFFD0]  }
0xd9: {  	[tilespmem:v24+s24+$0x0] =	vst.idx.msk $0xffff, v18;
	v18 =	vld [tilespmem:s12+$0x10];
	v22 =	vadd.s32 v43, v12  }
0xda: {  	v23 =	vadd.s32 v56, v13;
	[tilespmem:v25+s24+$0x0] =	vst.idx.msk $0xffff, v21;
	v21 =	vld [tilespmem:s12+$0x50]  }
0xdb: {  	v24 =	vld [tilespmem:s12+$0x90];
	v25 =	vadd.s32 v58, v16;
	[tilespmem:v27+s24+$0x0] =	vst.idx.msk $0xffff, v26  }
0xdc: {  	v26 =	vld [tilespmem:s12+$0xFFFFFE10];
	v27 =	vadd.s32 v43, v2;
	[tilespmem:v19+s24+$0x0] =	vst.idx.msk $0xffff, v0  }
0xdd: {  	v0 =	vld [tilespmem:s12+$0xD0];
	v19 =	vadd.s32 v60, v3;
	[tilespmem:v20+s24+$0x0] =	vst.idx.msk $0xffff, v17  }
0xde: {  	v17 =	vld [tilespmem:s12+$0x110];
	[tilespmem:v22+s24+$0x0] =	vst.idx.msk $0xffff, v18  }
0xdf: {  	v20 =	vadd.s32 v61, v4;
	v18 =	vld [tilespmem:s12+$0x150];
	[tilespmem:v23+s24+$0x0] =	vst.idx.msk $0xffff, v21  }
0xe0: {  	v22 =	vadd.s32 v63, v5;
	v21 =	vld [tilespmem:s12+$0x190];
	[tilespmem:v25+s24+$0x0] =	vst.idx.msk $0xffff, v24  }
0xe1: {  	v23 =	vadd.s32 v1, v6;
	v24 =	vld [tilespmem:s12+$0xFFFFFE60];
	[tilespmem:v27+s24+$0x0] =	vst.idx.msk $0xffff, v26  }
0xe2: {  	v25 =	vadd.s32 v33, v14;
	v26 =	vmov s15;
	[tilespmem:v19+s24+$0x0] =	vst.idx.msk $0xffff, v0;
	v0 =	vld [tilespmem:s12+$0xFFFFFEA0]  }
0xe3: {  	v19 =	vadd.s32 v41, v15;
	v28 =	vshrl.u32 v26, $0x3;
	v26 =	vld [tilespmem:s12+$0xFFFFFE20]  }
0xe4: {  	[tilespmem:v20+s24+$0x0] =	vst.idx.msk $0xffff, v17;
	v17 =	vld [tilespmem:s12+$0xFFFFFEE0];
	v20 =	vadd.s32 v36, v9  }
0xe5: {  	[tilespmem:v22+s24+$0x0] =	vst.idx.msk $0xffff, v18;
	v18 =	vld [tilespmem:s12+$0xFFFFFF20];
	v22 =	vadd.s32 v44, v7  }
0xe6: {  	v29 =	vadd.s32 v46, v2;
	[tilespmem:v23+s24+$0x0] =	vst.idx.msk $0xffff, v21;
	v21 =	vld [tilespmem:s12+$0xFFFFFF60]  }
0xe7: {  	v23 =	vadd.s32 v42, v10;
	[tilespmem:v25+s24+$0x0] =	vst.idx.msk $0xffff, v24;
	v24 =	vld [tilespmem:s12+$0xFFFFFFA0]  }
0xe8: {  	v25 =	vadd.s32 v45, v8;
	[tilespmem:v19+s24+$0x0] =	vst.idx.msk $0xffff, v0;
	v0 =	vld [tilespmem:s12+$0xFFFFFFE0]  }
0xe9: {  	v19 =	vadd.s32 v30, v11;
	[tilespmem:v20+s24+$0x0] =	vst.idx.msk $0xffff, v17;
	v17 =	vld [tilespmem:s12+$0x20]  }
0xea: {  	v20 =	vadd.s32 v46, v12;
	[tilespmem:v22+s24+$0x0] =	vst.idx.msk $0xffff, v18;
	v18 =	vld [tilespmem:s12+$0x60]  }
0xeb: {  	[tilespmem:v29+s24+$0x0] =	vst.idx.msk $0xffff, v26;
	v22 =	vadd.s32 v33, v13;
	v38 =	vld [tilespmem:s12+$0xFFFFFF30]  }
0xec: {  	v7 =	vadd.s32 v57, v7;
	[tilespmem:v23+s24+$0x0] =	vst.idx.msk $0xffff, v21;
	v21 =	vld [tilespmem:s12+$0xA0]  }
0xed: {  	v23 =	vadd.s32 v41, v16;
	[tilespmem:v25+s24+$0x0] =	vst.idx.msk $0xffff, v24;
	v24 =	vld [tilespmem:s12+$0xE0]  }
0xee: {  	v25 =	vadd.s32 v36, v3;
	v39 =	vld [tilespmem:s12+$0xFFFFFF70];
	[tilespmem:v19+s24+$0x0] =	vst.idx.msk $0xffff, v0  }
0xef: {  	v40 =	vadd.s32 v59, v10;
	v0 =	vld [tilespmem:s12+$0x120];
	v19 =	vadd.s32 v44, v4;
	[tilespmem:v20+s24+$0x0] =	vst.idx.msk $0xffff, v17  }
0xf0: {  	s30 =	sadd.s32 $0x1, s15;
	v34 =	vadd.s32 v53, v14;
	v17 =	vld [tilespmem:s12+$0x160];
	v20 =	vadd.s32 v42, v5;
	[tilespmem:v22+s24+$0x0] =	vst.idx.msk $0xffff, v18  }
0xf1: {  	s16 =	sadd.s32 $0x2, s15;
	v47 =	vmovc v46;
	v27 =	vadd.s32 v45, v6;
	v9 =	vadd.s32 v55, v9;
	v30 =	vmov s30;
	s30 =	sadd.s32 $0x4, s15;
	v18 =	vld [tilespmem:s12+$0x1A0];
	[tilespmem:v7+s24+$0x0] =	vst.idx.msk $0xffff, v38  }
0xf2: {  	v31 =	vmov s16;
	v29 =	vadd.s32 v50, v11;
	v35 =	vmov s30;
	v46 =	vmovc v45;
	v45 =	vmovc v42;
	s30 =	sadd.s32 $0x6, s15;
	[tilespmem:v23+s24+$0x0] =	vst.idx.msk $0xffff, v21;
	v23 =	vld [tilespmem:s12+$0xFFFFFE70]  }
0xf3: {  	s29 =	sadd.s32 $0x3, s15;
	s16 =	sadd.s32 $0x5, s15;
	v13 =	vadd.s32 v53, v13;
	v37 =	vmov s30;
	v41 =	vmovc v33;
	[tilespmem:v25+s24+$0x0] =	vst.idx.msk $0xffff, v24;
	v24 =	vld [tilespmem:s12+$0xFFFFFEB0];
	v25 =	vadd.s32 v54, v15  }
0xf4: {  	s30 =	sadd.s32 $0x8, s15;
	v33 =	vmov s29;
	v42 =	vmovc v44;
	v44 =	vmovc v43;
	v43 =	vmov v36;
	v36 =	vmov s16;
	s16 =	sadd.s32 $0x7, s15;
	[tilespmem:v19+s24+$0x0] =	vst.idx.msk $0xffff, v0;
	v0 =	vld [tilespmem:s12+$0xFFFFFEF0]  }
0xf5: {  	p3 =	slt.u32 s15, $0x70;
	v11 =	vshrl.u32 v37, $0x3;
	v26 =	vld [tilespmem:s12+$0xFFFFFFB0];
	v22 =	vmov s30;
	s30 =	sadd.s32 $0xA, s15;
	v21 =	vmov s16;
	s16 =	sadd.s32 $0x9, s15;
	[tilespmem:v20+s24+$0x0] =	vst.idx.msk $0xffff, v17  }
.Ltmp0:
0xf6: {  	v10 =	vshrl.u32 v36, $0x3;
	v15 =	vmov s30;
	s30 =	sadd.s32 $0xC, s15;
	v14 =	vmov s16;
	s16 =	sadd.s32 $0xB, s15;
	v7 =	vld [tilespmem:s12+$0xB0];
	[tilespmem:v27+s24+$0x0] =	vst.idx.msk $0xffff, v18;
	(pc) =	sbr.rel @p3 .LBB2_4-.Ltmp0, $4  }
0xf7: {  	v36 =	vmovc v43;
	v43 =	vmovc v44;
	v19 =	vmov s16;
	s16 =	sadd.s32 $0xD, s15;
	v20 =	vmov s30;
	[tilespmem:v34+s24+$0x0] =	vst.idx.msk $0xffff, v23;
	v23 =	vshll.u32 v28, v32;
	v28 =	vld [tilespmem:s12+$0xFFFFFFF0]  }
0xf8: {  	v44 =	vmovc v42;
	v42 =	vmovc v45;
	v17 =	vmov s16;
	s30 =	sadd.s32 $0xE, s15;
	v27 =	vadd.s32 v62, v8;
	[tilespmem:v25+s24+$0x0] =	vst.idx.msk $0xffff, v24;
	v24 =	vshrl.u32 v31, $0x3;
	v31 =	vld [tilespmem:s12+$0x70]  }
0xf9: {  	v45 =	vmovc v46;
	v46 =	vmovc v47;
	v8 =	vadd.s32 v54, v16;
	v18 =	vmov s30;
	v25 =	vshrl.u32 v30, $0x3;
	[tilespmem:v9+s24+$0x0] =	vst.idx.msk $0xffff, v0;
	v0 =	vld [tilespmem:s12+$0x30]  }
0xfa: {  	s17 =	sadd.s32 $0xF, s15;
	[tilespmem:v40+s24+$0x0] =	vst.idx.msk $0xffff, v39;
	s15 =	sadd.s32 $0x10, s15;
	v30 =	vadd.s32 v52, v12;
	v12 =	vshrl.u32 v35, $0x3;
	v9 =	vshrl.u32 v33, $0x3;
	v33 =	vmovc v41;
	v41 =	vld [tilespmem:$0x1FDF0]  }
0xfb: {  	_ =	sdelay $0x3  }
0xfc: {  	v47 =	vmov s17;
	[tilespmem:v27+s24+$0x0] =	vst.idx.msk $0xffff, v26;
	v34 =	vld [tilespmem:s12+$0xF0];
	v39 =	vadd.s32 v55, v3  }
0xfd: {  	v16 =	vshrl.u32 v21, $0x3;
	v21 =	vld [tilespmem:s12+$0x130];
	v40 =	vadd.s32 v57, v4;
	v3 =	vshrl.u32 v47, $0x3;
	[tilespmem:v29+s24+$0x0] =	vst.idx.msk $0xffff, v28  }
0xfe: {  	v29 =	vadd.s32 v59, v5;
	v3 =	vshll.u32 v3, v32;
	[tilespmem:v30+s24+$0x0] =	vst.idx.msk $0xffff, v0;
	v0 =	vld [tilespmem:s12+$0x170]  }
0xff: {  	[tilespmem:v13+s24+$0x0] =	vst.idx.msk $0xffff, v31;
	v13 =	vld [tilespmem:s12+$0x1B0];
	v31 =	vadd.s32 v62, v6;
	v30 =	vbroadcast v3, $0x0  }
0x100: {  	v35 =	vshll.u32 v25, v32;
	v37 =	vld [tilespmem:s12+$0xFFFFFE30];
	v38 =	vadd.s32 v52, v2;
	[tilespmem:v8+s24+$0x0] =	vst.idx.msk $0xffff, v7;
	s15 =	sadd.s32 $0x400, s12;
	v3 =	vbroadcast v23, $0x0  }
0x101: {  	v2 =	vbroadcast v35, $0x0;
	v47 =	vshll.u32 v24, v32;
	v8 =	vld [tilespmem:s15+$0x1C0];
	v24 =	vadd.s32 v51, v30;
	[tilespmem:v39+s24+$0x0] =	vst.idx.msk $0xffff, v34  }
0x102: {  	v34 =	vld [tilespmem:s15+$0xFFFFFE00];
	v35 =	vadd.s32 v49, v3;
	[tilespmem:v40+s24+$0x0] =	vst.idx.msk $0xffff, v21  }
0x103: {  	v39 =	vshll.u32 v9, v32;
	v9 =	vld [tilespmem:s15+$0xFFFFFE40];
	v21 =	vadd.s32 v48, v2;
	[tilespmem:v29+s24+$0x0] =	vst.idx.msk $0xffff, v0  }
0x104: {  	v4 =	vbroadcast v47, $0x0;
	v40 =	vshll.u32 v12, v32;
	v47 =	vld [tilespmem:$0x1FD80];
	[tilespmem:v31+s24+$0x0] =	vst.idx.msk $0xffff, v13  }
0x105: {  	v6 =	vbroadcast v40, $0x0;
	v40 =	vld [tilespmem:$0x1FD90];
	[tilespmem:v38+s24+$0x0] =	vst.idx.msk $0xffff, v37  }
0x106: {  	v5 =	vbroadcast v39, $0x0;
	v39 =	vld [tilespmem:$0x1FDA0];
	[tilespmem:v24+s24+$0x0] =	vst.idx.msk $0xffff, v8  }
0x107: {  	[tilespmem:v35+s24+$0x0] =	vst.idx.msk $0xffff, v34  }
0x108: {  	v35 =	vld [tilespmem:$0x1FDD0];
	[tilespmem:v21+s24+$0x0] =	vst.idx.msk $0xffff, v9  }
0x109: {  	v38 =	vld [tilespmem:$0x1FDB0]  }
0x10a: {  	v0 =	vld [tilespmem:s15+$0xFFFFFE80];
	v12 =	vadd.s32 v47, v4  }
0x10b: {  	v10 =	vshll.u32 v10, v32;
	v13 =	vld [tilespmem:s15+$0xFFFFFEC0];
	v28 =	vadd.s32 v40, v5  }
0x10c: {  	v7 =	vbroadcast v10, $0x0;
	v23 =	vld [tilespmem:s15+$0xFFFFFF00];
	v25 =	vadd.s32 v39, v6  }
0x10d: {  	v31 =	vshll.u32 v16, v32;
	v16 =	vld [tilespmem:s15+$0x1D0];
	v24 =	vadd.s32 v35, v30  }
0x10e: {  	v21 =	vld [tilespmem:s15+$0xFFFFFF40];
	v26 =	vadd.s32 v38, v7  }
0x10f: {  	v22 =	vshrl.u32 v22, $0x3;
	[tilespmem:v12+s24+$0x0] =	vst.idx.msk $0xffff, v0  }
0x110: {  	v34 =	vshll.u32 v22, v32;
	v37 =	vld [tilespmem:$0x1FDC0];
	[tilespmem:v28+s24+$0x0] =	vst.idx.msk $0xffff, v13  }
0x111: {  	v14 =	vshrl.u32 v14, $0x3;
	v10 =	vbroadcast v34, $0x0;
	[tilespmem:v25+s24+$0x0] =	vst.idx.msk $0xffff, v23  }
0x112: {  	v15 =	vshrl.u32 v15, $0x3;
	v14 =	vshll.u32 v14, v32;
	v29 =	vshll.u32 v11, v32;
	[tilespmem:v24+s24+$0x0] =	vst.idx.msk $0xffff, v16  }
0x113: {  	v8 =	vbroadcast v29, $0x0;
	v34 =	vshll.u32 v15, v32;
	v23 =	vld [tilespmem:s15+$0x0];
	v25 =	vadd.s32 v49, v10;
	[tilespmem:v26+s24+$0x0] =	vst.idx.msk $0xffff, v21  }
0x114: {  	v17 =	vshrl.u32 v17, $0x3;
	v11 =	vbroadcast v14, $0x0;
	v12 =	vbroadcast v34, $0x0;
	v34 =	vld [tilespmem:$0x1FDE0]  }
0x115: {  	v9 =	vbroadcast v31, $0x0;
	v0 =	vld [tilespmem:s15+$0xFFFFFF80];
	v26 =	vshll.u32 v17, v32;
	v22 =	vadd.s32 v37, v8  }
0x116: {  	v20 =	vshrl.u32 v20, $0x3;
	v29 =	vld [tilespmem:s15+$0x40];
	v31 =	vadd.s32 v48, v11;
	v15 =	vbroadcast v26, $0x0  }
0x117: {  	v19 =	vshrl.u32 v19, $0x3;
	v27 =	vld [tilespmem:s15+$0xFFFFFFC0];
	v28 =	vadd.s32 v51, v9;
	v24 =	vshll.u32 v20, v32  }
0x118: {  	v19 =	vshll.u32 v19, v32;
	v14 =	vbroadcast v24, $0x0;
	v24 =	vld [tilespmem:s15+$0x140];
	[tilespmem:v25+s24+$0x0] =	vst.idx.msk $0xffff, v23;
	v25 =	vadd.s32 v38, v15  }
0x119: {  	v13 =	vbroadcast v19, $0x0;
	v19 =	vld [tilespmem:s15+$0x1E0];
	v20 =	vadd.s32 v34, v30  }
0x11a: {  	v18 =	vshrl.u32 v18, $0x3;
	v21 =	vadd.s32 v47, v12;
	[tilespmem:v22+s24+$0x0] =	vst.idx.msk $0xffff, v0;
	v0 =	vld [tilespmem:s15+$0x80]  }
0x11b: {  	v17 =	vld [tilespmem:s15+$0xC0];
	[tilespmem:v31+s24+$0x0] =	vst.idx.msk $0xffff, v29;
	v22 =	vadd.s32 v40, v13;
	v40 =	vshll.u32 v18, v32  }
0x11c: {  	[tilespmem:v28+s24+$0x0] =	vst.idx.msk $0xffff, v27;
	v47 =	vadd.s32 v39, v14;
	v18 =	vld [tilespmem:s15+$0x100];
	v16 =	vbroadcast v40, $0x0  }
0x11d: {  	v39 =	vld [tilespmem:s15+$0xFFFFFE90];
	v40 =	vadd.s32 v58, v4;
	[tilespmem:v25+s24+$0x0] =	vst.idx.msk $0xffff, v24  }
0x11e: {  	v31 =	vld [tilespmem:s15+$0x180];
	v37 =	vadd.s32 v37, v16;
	[tilespmem:v20+s24+$0x0] =	vst.idx.msk $0xffff, v19  }
0x11f: {  	v38 =	vadd.s32 v56, v2;
	v20 =	vld [tilespmem:s15+$0xFFFFFE50];
	[tilespmem:v21+s24+$0x0] =	vst.idx.msk $0xffff, v0  }
0x120: {  	v19 =	vadd.s32 v50, v30;
	v0 =	vld [tilespmem:s15+$0x1F0];
	[tilespmem:v22+s24+$0x0] =	vst.idx.msk $0xffff, v17  }
0x121: {  	v24 =	vld [tilespmem:s15+$0xFFFFFF10];
	v30 =	vadd.s32 v61, v6;
	[tilespmem:v47+s24+$0x0] =	vst.idx.msk $0xffff, v18  }
0x122: {  	v18 =	vld [tilespmem:s15+$0xFFFFFED0];
	v47 =	vadd.s32 v60, v5;
	[tilespmem:v40+s24+$0x0] =	vst.idx.msk $0xffff, v39  }
0x123: {  	v39 =	vld [tilespmem:s15+$0xFFFFFFD0];
	v40 =	vadd.s32 v35, v9;
	[tilespmem:v37+s24+$0x0] =	vst.idx.msk $0xffff, v31  }
0x124: {  	v31 =	vld [tilespmem:s15+$0xFFFFFF50];
	v37 =	vadd.s32 v63, v7;
	[tilespmem:v38+s24+$0x0] =	vst.idx.msk $0xffff, v20  }
0x125: {  	v38 =	vadd.s32 v1, v8;
	[tilespmem:v19+s24+$0x0] =	vst.idx.msk $0xffff, v0;
	v0 =	vld [tilespmem:s15+$0xFFFFFF90]  }
0x126: {  	v29 =	vld [tilespmem:s15+$0x50];
	[tilespmem:v30+s24+$0x0] =	vst.idx.msk $0xffff, v24;
	v30 =	vadd.s32 v56, v11  }
0x127: {  	v28 =	vadd.s32 v43, v10;
	[tilespmem:v47+s24+$0x0] =	vst.idx.msk $0xffff, v18;
	v47 =	vld [tilespmem:s15+$0x10]  }
0x128: {  	v23 =	vadd.s32 v1, v16;
	v22 =	vld [tilespmem:s15+$0x190];
	[tilespmem:v40+s24+$0x0] =	vst.idx.msk $0xffff, v39  }
0x129: {  	v35 =	vadd.s32 v58, v12;
	[tilespmem:v37+s24+$0x0] =	vst.idx.msk $0xffff, v31;
	v31 =	vld [tilespmem:s15+$0x90]  }
0x12a: {  	v37 =	vadd.s32 v60, v13;
	[tilespmem:v38+s24+$0x0] =	vst.idx.msk $0xffff, v0;
	v0 =	vld [tilespmem:s15+$0xD0]  }
0x12b: {  	v39 =	vadd.s32 v61, v14;
	[tilespmem:v30+s24+$0x0] =	vst.idx.msk $0xffff, v29;
	v38 =	vld [tilespmem:s15+$0x110]  }
0x12c: {  	v40 =	vld [tilespmem:s15+$0x150];
	[tilespmem:v28+s24+$0x0] =	vst.idx.msk $0xffff, v47;
	v47 =	vadd.s32 v63, v15  }
0x12d: {  	[tilespmem:v23+s24+$0x0] =	vst.idx.msk $0xffff, v22;
	v29 =	vadd.s32 v42, v7;
	v28 =	vld [tilespmem:s15+$0xFFFFFF60]  }
0x12e: {  	v26 =	vld [tilespmem:s15+$0xFFFFFE10];
	v30 =	vadd.s32 v43, v3;
	[tilespmem:v35+s24+$0x0] =	vst.idx.msk $0xffff, v31  }
0x12f: {  	v31 =	vld [tilespmem:s15+$0xFFFFFE60];
	v35 =	vadd.s32 v33, v2;
	[tilespmem:v37+s24+$0x0] =	vst.idx.msk $0xffff, v0  }
0x130: {  	v0 =	vld [tilespmem:s15+$0xFFFFFEA0];
	v37 =	vadd.s32 v41, v4;
	[tilespmem:v39+s24+$0x0] =	vst.idx.msk $0xffff, v38  }
0x131: {  	v38 =	vld [tilespmem:s15+$0xFFFFFEE0];
	v39 =	vadd.s32 v36, v5;
	[tilespmem:v47+s24+$0x0] =	vst.idx.msk $0xffff, v40  }
0x132: {  	v40 =	vld [tilespmem:s15+$0xFFFFFF20];
	v47 =	vadd.s32 v44, v6;
	[tilespmem:v29+s24+$0x0] =	vst.idx.msk $0xffff, v28  }
0x133: {  	v7 =	vadd.s32 v59, v7;
	[tilespmem:v30+s24+$0x0] =	vst.idx.msk $0xffff, v26;
	v25 =	vld [tilespmem:s15+$0xFFFFFF70]  }
0x134: {  	v30 =	vld [tilespmem:s15+$0xFFFFFFA0];
	[tilespmem:v35+s24+$0x0] =	vst.idx.msk $0xffff, v31;
	v31 =	vadd.s32 v45, v8  }
0x135: {  	v34 =	vadd.s32 v34, v9;
	[tilespmem:v37+s24+$0x0] =	vst.idx.msk $0xffff, v0;
	v0 =	vld [tilespmem:s15+$0xFFFFFFE0]  }
0x136: {  	v35 =	vld [tilespmem:s15+$0x20];
	[tilespmem:v39+s24+$0x0] =	vst.idx.msk $0xffff, v38;
	v37 =	vadd.s32 v46, v10  }
0x137: {  	[tilespmem:v47+s24+$0x0] =	vst.idx.msk $0xffff, v40;
	v38 =	vld [tilespmem:s15+$0x60];
	v39 =	vadd.s32 v33, v11  }
0x138: {  	v22 =	vld [tilespmem:s15+$0xA0];
	v40 =	vadd.s32 v41, v12;
	[tilespmem:v7+s24+$0x0] =	vst.idx.msk $0xffff, v25  }
0x139: {  	v6 =	vadd.s32 v57, v6;
	v24 =	vld [tilespmem:s15+$0xFFFFFF30];
	[tilespmem:v31+s24+$0x0] =	vst.idx.msk $0xffff, v30  }
0x13a: {  	v47 =	vld [tilespmem:s15+$0xE0];
	v30 =	vadd.s32 v36, v13;
	[tilespmem:v34+s24+$0x0] =	vst.idx.msk $0xffff, v0  }
0x13b: {  	v31 =	vadd.s32 v44, v14;
	v0 =	vld [tilespmem:s15+$0x120];
	[tilespmem:v37+s24+$0x0] =	vst.idx.msk $0xffff, v35  }
0x13c: {  	v34 =	vld [tilespmem:s15+$0x160];
	v35 =	vadd.s32 v42, v15;
	[tilespmem:v39+s24+$0x0] =	vst.idx.msk $0xffff, v38  }
0x13d: {  	v37 =	vld [tilespmem:s15+$0x1A0];
	v38 =	vadd.s32 v45, v16;
	[tilespmem:v40+s24+$0x0] =	vst.idx.msk $0xffff, v22  }
0x13e: {  	v2 =	vadd.s32 v53, v2;
	v40 =	vld [tilespmem:s15+$0xFFFFFE70];
	[tilespmem:v6+s24+$0x0] =	vst.idx.msk $0xffff, v24  }
0x13f: {  	v26 =	vld [tilespmem:s15+$0xFFFFFE20];
	v39 =	vadd.s32 v46, v3;
	[tilespmem:v30+s24+$0x0] =	vst.idx.msk $0xffff, v47  }
0x140: {  	v29 =	vadd.s32 v53, v11;
	v28 =	vld [tilespmem:s15+$0x70];
	[tilespmem:v31+s24+$0x0] =	vst.idx.msk $0xffff, v0  }
0x141: {  	v5 =	vadd.s32 v55, v5;
	v0 =	vld [tilespmem:s15+$0xFFFFFEF0];
	[tilespmem:v35+s24+$0x0] =	vst.idx.msk $0xffff, v34  }
0x142: {  	v4 =	vadd.s32 v54, v4;
	v47 =	vld [tilespmem:s15+$0xFFFFFEB0];
	[tilespmem:v38+s24+$0x0] =	vst.idx.msk $0xffff, v37  }
0x143: {  	v8 =	vadd.s32 v62, v8;
	[tilespmem:v2+s24+$0x0] =	vst.idx.msk $0xffff, v40;
	v2 =	vld [tilespmem:s15+$0xFFFFFFB0]  }
0x144: {  	v9 =	vadd.s32 v50, v9;
	[tilespmem:v39+s24+$0x0] =	vst.idx.msk $0xffff, v26;
	v26 =	vld [tilespmem:s15+$0xFFFFFFF0]  }
0x145: {  	v30 =	vld [tilespmem:s15+$0xB0];
	v31 =	vadd.s32 v54, v12;
	[tilespmem:v29+s24+$0x0] =	vst.idx.msk $0xffff, v28  }
0x146: {  	v27 =	vadd.s32 v52, v10;
	[tilespmem:v5+s24+$0x0] =	vst.idx.msk $0xffff, v0;
	v0 =	vld [tilespmem:s15+$0x30]  }
0x147: {  	v37 =	vadd.s32 v57, v14;
	v35 =	vld [tilespmem:s15+$0x130];
	[tilespmem:v4+s24+$0x0] =	vst.idx.msk $0xffff, v47  }
0x148: {  	v40 =	vadd.s32 v62, v16;
	v39 =	vld [tilespmem:s15+$0x1B0];
	[tilespmem:v8+s24+$0x0] =	vst.idx.msk $0xffff, v2  }
0x149: {  	v3 =	vadd.s32 v52, v3;
	v47 =	vld [tilespmem:s15+$0xFFFFFE30];
	[tilespmem:v9+s24+$0x0] =	vst.idx.msk $0xffff, v26  }
0x14a: {  	v34 =	vadd.s32 v55, v13;
	v2 =	vld [tilespmem:s15+$0xF0];
	[tilespmem:v31+s24+$0x0] =	vst.idx.msk $0xffff, v30  }
0x14b: {  	v38 =	vadd.s32 v59, v15;
	[tilespmem:v27+s24+$0x0] =	vst.idx.msk $0xffff, v0;
	v0 =	vld [tilespmem:s15+$0x170]  }
0x14c: {  	[tilespmem:v37+s24+$0x0] =	vst.idx.msk $0xffff, v35  }
0x14d: {  	[tilespmem:v40+s24+$0x0] =	vst.idx.msk $0xffff, v39  }
0x14e: {  	s10 =	sshll.u32 s10, $0xF;
	[tilespmem:v3+s24+$0x0] =	vst.idx.msk $0xffff, v47  }
0x14f: {  	s10 =	sor.u32 s14, s10;
	[tilespmem:v34+s24+$0x0] =	vst.idx.msk $0xffff, v2  }
0x150: {  	s29 =	sadd.s32 $0x0, s11;
	s12 =	sadd.s32 s1, s10;
	[tilespmem:v38+s24+$0x0] =	vst.idx.msk $0xffff, v0  }
0x151: {  	[hbm4b:s12+s3] =	stream.linear.scatter [tilespmem:s29], [sflag:$0x3], $0x80, $0x38;
	[tilespmem:$0x10A00] =	vst v63  }
0x152: {  	s16 =	sadd.s32 $0x10, s12;
	s15 =	sadd.s32 $0x88, s29  }
0x153: {  	[hbm4b:s16+s3] =	stream.linear.scatter [tilespmem:s15], [sflag:$0x3], $0x80, $0x38;
	[tilespmem:$0x10A00] =	vst v63  }
0x154: {  	s17 =	sadd.s32 $0x110, s29;
	s16 =	sadd.s32 $0x20, s12  }
0x155: {  	[hbm4b:s16+s3] =	stream.linear.scatter [tilespmem:s17], [sflag:$0x3], $0x80, $0x38;
	[tilespmem:$0x10A00] =	vst v63  }
0x156: {  	s17 =	sadd.s32 $0x198, s29;
	s16 =	sadd.s32 $0x30, s12  }
0x157: {  	[hbm4b:s16+s3] =	stream.linear.scatter [tilespmem:s17], [sflag:$0x3], $0x80, $0x38;
	[tilespmem:$0x10A00] =	vst v63  }
0x158: {  	s17 =	sadd.s32 $0x220, s29;
	s16 =	sadd.s32 $0x40, s12  }
0x159: {  	[hbm4b:s16+s3] =	stream.linear.scatter [tilespmem:s17], [sflag:$0x3], $0x80, $0x38;
	[tilespmem:$0x10A00] =	vst v63  }
0x15a: {  	s30 =	sadd.s32 $0x70, s12;
	s17 =	sadd.s32 $0x2A8, s29;
	s16 =	sadd.s32 $0x50, s12  }
0x15b: {  	[hbm4b:s16+s3] =	stream.linear.scatter [tilespmem:s17], [sflag:$0x3], $0x80, $0x38;
	[tilespmem:$0x10A00] =	vst v63  }
0x15c: {  	s15 =	simm.s32 $0x440;
	s17 =	sadd.s32 $0x330, s29;
	s16 =	sadd.s32 $0x60, s12  }
0x15d: {  	[hbm4b:s16+s3] =	stream.linear.scatter [tilespmem:s17], [sflag:$0x3], $0x80, $0x38;
	[tilespmem:$0x10A00] =	vst v63  }
0x15e: {  	s29 =	sadd.s32 $0x3B8, s29;
	s12 =	sadd.s32 $0x1000, s12;
	s17 =	simm.s32 $0x2200  }
.LBB2_6:
0x15f: {  	[hbm4b:s30+s3] =	stream.linear.scatter [tilespmem:s29], [sflag:$0x3], $0x80, $0x38;
	[tilespmem:$0x10A00] =	vst v63  }
0x160: {  	s29 =	smov.u32 s17  }
0x161: {  	s16 =	sadd.s32 $0x1100, s17;
	s30 =	sadd.s32 s15, s11;
	s15 =	sshra.s32 s29, $0x2  }
0x162: {  	[hbm4b:s12+s3] =	stream.linear.scatter [tilespmem:s30], [sflag:$0x3], $0x80, $0x38;
	[tilespmem:$0x10A00] =	vst v63  }
0x163: {  	p3 =	sne.s32 s17, $0x7700;
	s17 =	sadd.s32 $0x88, s30;
	s29 =	sadd.s32 $0x10, s12  }
0x164: {  	[hbm4b:s29+s3] =	stream.linear.scatter [tilespmem:s17], [sflag:$0x3], $0x80, $0x38;
	[tilespmem:$0x10A00] =	vst v63  }
0x165: {  	s17 =	sadd.s32 $0x110, s30;
	s29 =	sadd.s32 $0x20, s12  }
0x166: {  	[hbm4b:s29+s3] =	stream.linear.scatter [tilespmem:s17], [sflag:$0x3], $0x80, $0x38;
	[tilespmem:$0x10A00] =	vst v63  }
0x167: {  	s17 =	sadd.s32 $0x198, s30;
	s29 =	sadd.s32 $0x30, s12  }
0x168: {  	[hbm4b:s29+s3] =	stream.linear.scatter [tilespmem:s17], [sflag:$0x3], $0x80, $0x38;
	[tilespmem:$0x10A00] =	vst v63  }
0x169: {  	s17 =	sadd.s32 $0x220, s30;
	s29 =	sadd.s32 $0x40, s12  }
0x16a: {  	[hbm4b:s29+s3] =	stream.linear.scatter [tilespmem:s17], [sflag:$0x3], $0x80, $0x38;
	[tilespmem:$0x10A00] =	vst v63  }
0x16b: {  	s17 =	sadd.s32 $0x2A8, s30;
	s29 =	sadd.s32 $0x50, s12  }
0x16c: {  	[hbm4b:s29+s3] =	stream.linear.scatter [tilespmem:s17], [sflag:$0x3], $0x80, $0x38;
	[tilespmem:$0x10A00] =	vst v63  }
.Ltmp1:
0x16d: {  	_ = 	snop;
	(pc) =	sbr.rel @p3 .LBB2_6-.Ltmp1, $4  }
0x16e: {  	s17 =	sadd.s32 $0x330, s30;
	s29 =	sadd.s32 $0x60, s12  }
0x16f: {  	[hbm4b:s29+s3] =	stream.linear.scatter [tilespmem:s17], [sflag:$0x3], $0x80, $0x38;
	[tilespmem:$0x10A00] =	vst v63  }
0x170: {  	s29 =	sadd.s32 $0x3B8, s30  }
0x171: {  	s30 =	sadd.s32 $0x70, s12;
	s12 =	sadd.s32 $0x1000, s12;
	s17 =	smov.u32 s16  }
0x172: {  	[hbm4b:s30+s3] =	stream.linear.scatter [tilespmem:s29], [sflag:$0x3], $0x80, $0x38;
	[tilespmem:$0x10A00] =	vst v63  }
0x173: {  	s11 =	sadd.s32 s15, s11  }
0x174: {  	[hbm4b:s12+s3] =	stream.linear.scatter [tilespmem:s11], [sflag:$0x3], $0x80, $0x38;
	[tilespmem:$0x10A00] =	vst v63  }
0x175: {  	s16 =	sadd.s32 $0x10, s12;
	s15 =	sadd.s32 $0x88, s11  }
0x176: {  	[hbm4b:s16+s3] =	stream.linear.scatter [tilespmem:s15], [sflag:$0x3], $0x80, $0x38;
	[tilespmem:$0x10A00] =	vst v63  }
0x177: {  	s17 =	sadd.s32 $0x20, s12;
	s16 =	sadd.s32 $0x110, s11  }
0x178: {  	[hbm4b:s17+s3] =	stream.linear.scatter [tilespmem:s16], [sflag:$0x3], $0x80, $0x38;
	[tilespmem:$0x10A00] =	vst v63  }
0x179: {  	s30 =	sadd.s32 $0x30, s12;
	s29 =	sadd.s32 $0x198, s11  }
0x17a: {  	[hbm4b:s30+s3] =	stream.linear.scatter [tilespmem:s29], [sflag:$0x3], $0x80, $0x38;
	[tilespmem:$0x10A00] =	vst v63  }
0x17b: {  	s16 =	sadd.s32 $0x220, s11;
	s17 =	sadd.s32 $0x40, s12  }
0x17c: {  	[hbm4b:s17+s3] =	stream.linear.scatter [tilespmem:s16], [sflag:$0x3], $0x80, $0x38;
	[tilespmem:$0x10A00] =	vst v63  }
0x17d: {  	s29 =	sadd.s32 $0x2A8, s11;
	s30 =	sadd.s32 $0x50, s12  }
0x17e: {  	[hbm4b:s30+s3] =	stream.linear.scatter [tilespmem:s29], [sflag:$0x3], $0x80, $0x38;
	[tilespmem:$0x10A00] =	vst v63  }
0x17f: {  	s17 =	sadd.s32 $0x330, s11;
	s29 =	sadd.s32 $0x60, s12  }
0x180: {  	[hbm4b:s29+s3] =	stream.linear.scatter [tilespmem:s17], [sflag:$0x3], $0x80, $0x38;
	[tilespmem:$0x10A00] =	vst v63  }
0x181: {  	s11 =	sadd.s32 $0x3B8, s11;
	s30 =	sadd.s32 $0x70, s12  }
0x182: {  	[hbm4b:s30+s3] =	stream.linear.scatter [tilespmem:s11], [sflag:$0x3], $0x80, $0x38;
	[tilespmem:$0x10A00] =	vst v63  }
0x183: {  	_ =	swait.ge [sflag:s25], $0x2000  }
0x184: {  	[sflag:s25] =	ssyncset.done $0x0  }
0x185: {  	s15 =	simm.s32 $0x0;
	s11 =	simm.s32 @!p1 $0x4;
	[sflag:s25] =	ssyncadd.s32 $0xFFFFE000  }
0x186: {  	s9 =	sor.u32 @!p2 $0x100, s9;
	v0 =	vmov s15;
	s15 =	simm.s32 $0xB;
	_ =	swait.ge @!p1 [sflag:s11], $0x2000  }
0x187: {  	v12 =	vmov s15;
	s15 =	sor.u32 $0x100, s21;
	s16 =	simm.s32 $0x1;
	[sflag:s11] =	ssyncset.done @!p1 $0x0  }
0x188: {  	v0 =	vshrl.u32 v0, $0x3;
	v2 =	vmov s16;
	s16 =	sadd.s32 s8, s20;
	s12 =	simm.s32 $0xF;
	[sflag:s11] =	ssyncadd.s32 @!p1 $0xFFFFE000  }
0x189: {  	v0 =	vshll.u32 v0, v32;
	v14 =	vshrl.u32 v2, $0x3;
	v2 =	vmov s12;
	s12 =	simm.s32 @!p2 $0x80;
	s17 =	simm.s32 $0x2;
	_ =	swait.ge [sflag:s26], $0x80  }
0x18a: {  	v47 =	vbroadcast v0, $0x0;
	v0 =	vshll.u32 v14, v32;
	s29 =	simm.s32 $0x3;
	s30 =	simm.s32 $0x4;
	[sflag:s26] =	ssyncset.done $0x0  }
0x18b: {  	v2 =	vshrl.u32 v2, $0x3;
	v4 =	vmov s29;
	s29 =	simm.s32 $0x6;
	v5 =	vmov s30;
	s30 =	simm.s32 $0x7;
	[sflag:s26] =	ssyncadd.s32 $0xFFFFFF80  }
0x18c: {  	v3 =	vmov s17;
	v2 =	vshll.u32 v2, v32;
	v7 =	vmov s29;
	[tilespmem:s15], [sflag:$0x6] =	stream.linear.gather [hbm4b:s16+s3], $0x80, $0x38;
	[tilespmem:$0x10A00] =	vst v63  }
0x18d: {  	s29 =	simm.s32 $0x9;
	v3 =	vshrl.u32 v3, $0x3;
	v22 =	vbroadcast v2, $0x0;
	v8 =	vmov s30;
	s30 =	simm.s32 $0xA;
	s11 =	sor.u32 @!p2 $0x4200, s19  }
0x18e: {  	v16 =	vbroadcast v0, $0x0;
	v10 =	vmov s29;
	v0 =	vshll.u32 v3, v32;
	v37 =	vld [tilespmem:$0x1FD80];
	[tilespmem:s11], [sflag:$0x2] =	stream.indirect.gather @!p2 [hbm4b:s6+s12], $0x40, s9, s12, $0xb8  }
0x18f: {  	v21 =	vshrl.u32 v10, $0x3;
	v10 =	vadd.s32 v51, v22;
	v11 =	vmov s30;
	v3 =	vld [tilespmem:s18+$0x1C0]  }
0x190: {  	v24 =	vadd.s32 v49, v47;
	v4 =	vshrl.u32 v4, $0x3;
	v23 =	vshrl.u32 v11, $0x3;
	v11 =	vld [tilespmem:s18+$0xFFFFFE00]  }
0x191: {  	s17 =	simm.s32 $0x5;
	v25 =	vadd.s32 v48, v16;
	v15 =	vbroadcast v0, $0x0;
	v0 =	vshll.u32 v4, v32;
	v4 =	vld [tilespmem:s18+$0xFFFFFE40]  }
0x192: {  	v6 =	vmov s17;
	s17 =	simm.s32 $0x8  }
0x193: {  	v9 =	vmov s17;
	v6 =	vshrl.u32 v6, $0x3;
	v35 =	vld [tilespmem:$0x1FD90]  }
0x194: {  	v7 =	vshrl.u32 v7, $0x3;
	v5 =	vshrl.u32 v5, $0x3;
	v20 =	vshrl.u32 v9, $0x3;
	v34 =	vld [tilespmem:$0x1FDA0];
	[tilespmem:v10+s28+$0x0] =	vst.idx.msk $0xffff, v3  }
0x195: {  	v6 =	vshll.u32 v6, v32;
	v14 =	vbroadcast v0, $0x0;
	v0 =	vshll.u32 v5, v32;
	v5 =	vld [tilespmem:s18+$0xFFFFFE80];
	[tilespmem:v24+s28+$0x0] =	vst.idx.msk $0xffff, v11  }
0x196: {  	s17 =	simm.s32 $0xC;
	v9 =	vbroadcast v6, $0x0;
	v6 =	vshll.u32 v7, v32;
	v26 =	vadd.s32 v37, v15;
	v7 =	vld [tilespmem:$0x1FDD0];
	[tilespmem:v25+s28+$0x0] =	vst.idx.msk $0xffff, v4  }
0x197: {  	v13 =	vmov s17;
	v31 =	vld [tilespmem:$0x1FDB0]  }
0x198: {  	v19 =	vshrl.u32 v8, $0x3;
	v8 =	vbroadcast v0, $0x0;
	v0 =	vshrl.u32 v12, $0x3;
	v12 =	vld [tilespmem:s18+$0xFFFFFEC0]  }
0x199: {  	v28 =	vshrl.u32 v13, $0x3;
	v27 =	vadd.s32 v35, v14;
	v13 =	vld [tilespmem:s18+$0xFFFFFF00]  }
0x19a: {  	v38 =	vbroadcast v6, $0x0;
	v29 =	vadd.s32 v34, v8;
	v6 =	vld [tilespmem:s18+$0x1D0]  }
0x19b: {  	v3 =	vshll.u32 v19, v32;
	v4 =	vld [tilespmem:s18+$0xFFFFFF40];
	[tilespmem:v26+s28+$0x0] =	vst.idx.msk $0xffff, v5;
	v19 =	vadd.s32 v7, v22  }
0x19c: {  	v30 =	vld [tilespmem:$0x1FDC0];
	v24 =	vadd.s32 v31, v9;
	_ =	sdelay $0x1  }
0x19d: {  	[tilespmem:v27+s28+$0x0] =	vst.idx.msk $0xffff, v12  }
0x19e: {  	s29 =	simm.s32 $0xD;
	[tilespmem:v29+s28+$0x0] =	vst.idx.msk $0xffff, v13  }
0x19f: {  	v17 =	vmov s29;
	[tilespmem:v19+s28+$0x0] =	vst.idx.msk $0xffff, v6  }
0x1a0: {  	v10 =	vbroadcast v3, $0x0;
	v3 =	vshll.u32 v20, v32;
	v5 =	vld [tilespmem:s18+$0xFFFFFF80];
	v20 =	vadd.s32 v30, v38;
	[tilespmem:v24+s28+$0x0] =	vst.idx.msk $0xffff, v4  }
0x1a1: {  	v17 =	vshrl.u32 v17, $0x3;
	v11 =	vbroadcast v3, $0x0;
	v3 =	vshll.u32 v21, v32;
	v2 =	vld [tilespmem:$0x1FDE0]  }
0x1a2: {  	s30 =	simm.s32 $0xE;
	v21 =	vld [tilespmem:s18+$0xFFFFFFC0];
	v25 =	vadd.s32 v51, v10;
	v12 =	vbroadcast v3, $0x0;
	v3 =	vshll.u32 v23, v32  }
0x1a3: {  	v18 =	vmov s30;
	v26 =	vld [tilespmem:s18+$0x0];
	v27 =	vadd.s32 v49, v11;
	v13 =	vbroadcast v3, $0x0  }
0x1a4: {  	v18 =	vshrl.u32 v18, $0x3;
	v0 =	vshll.u32 v0, v32;
	v23 =	vld [tilespmem:s18+$0x40];
	v29 =	vadd.s32 v48, v12  }
0x1a5: {  	v3 =	vbroadcast v0, $0x0;
	v0 =	vshll.u32 v28, v32;
	v28 =	vadd.s32 v37, v13;
	[tilespmem:v20+s28+$0x0] =	vst.idx.msk $0xffff, v5;
	v20 =	vld [tilespmem:s18+$0x80]  }
0x1a6: {  	v19 =	vld [tilespmem:s18+$0x1E0];
	v4 =	vbroadcast v0, $0x0;
	v0 =	vshll.u32 v17, v32;
	v24 =	vadd.s32 v2, v22  }
0x1a7: {  	v17 =	vld [tilespmem:s18+$0xC0];
	[tilespmem:v25+s28+$0x0] =	vst.idx.msk $0xffff, v21;
	v21 =	vadd.s32 v35, v3;
	v5 =	vbroadcast v0, $0x0;
	v0 =	vshll.u32 v18, v32  }
0x1a8: {  	[tilespmem:v27+s28+$0x0] =	vst.idx.msk $0xffff, v26;
	v18 =	vld [tilespmem:s18+$0x100];
	v25 =	vadd.s32 v34, v4;
	v6 =	vbroadcast v0, $0x0  }
0x1a9: {  	[tilespmem:v29+s28+$0x0] =	vst.idx.msk $0xffff, v23;
	v0 =	vld [tilespmem:s18+$0x140];
	v23 =	vadd.s32 v31, v5  }
0x1aa: {  	v26 =	vld [tilespmem:s18+$0x180];
	v27 =	vadd.s32 v30, v6;
	[tilespmem:v28+s28+$0x0] =	vst.idx.msk $0xffff, v20  }
0x1ab: {  	v20 =	vadd.s32 v50, v22;
	v22 =	vld [tilespmem:s18+$0xFFFFFE50];
	[tilespmem:v24+s28+$0x0] =	vst.idx.msk $0xffff, v19;
	v24 =	vadd.s32 v56, v16  }
0x1ac: {  	[tilespmem:v21+s28+$0x0] =	vst.idx.msk $0xffff, v17;
	v19 =	vld [tilespmem:s18+$0x1F0]  }
0x1ad: {  	[tilespmem:v25+s28+$0x0] =	vst.idx.msk $0xffff, v18  }
0x1ae: {  	v17 =	vld [tilespmem:s18+$0xFFFFFE90];
	v21 =	vadd.s32 v58, v15;
	[tilespmem:v23+s28+$0x0] =	vst.idx.msk $0xffff, v0  }
0x1af: {  	v18 =	vld [tilespmem:s18+$0xFFFFFED0];
	v25 =	vadd.s32 v60, v14;
	[tilespmem:v27+s28+$0x0] =	vst.idx.msk $0xffff, v26  }
0x1b0: {  	v0 =	vld [tilespmem:s18+$0xFFFFFF10];
	v23 =	vadd.s32 v61, v8;
	[tilespmem:v24+s28+$0x0] =	vst.idx.msk $0xffff, v22  }
0x1b1: {  	v26 =	vld [tilespmem:s18+$0xFFFFFF50];
	v27 =	vadd.s32 v63, v9;
	[tilespmem:v20+s28+$0x0] =	vst.idx.msk $0xffff, v19  }
0x1b2: {  	v19 =	vld [tilespmem:s18+$0xFFFFFF90];
	v20 =	vadd.s32 v1, v38;
	[tilespmem:$0x1FD70] =	vst v38  }
0x1b3: {  	[tilespmem:v21+s28+$0x0] =	vst.idx.msk $0xffff, v17;
	v17 =	vld [tilespmem:s18+$0xFFFFFFD0];
	v21 =	vadd.s32 v7, v10  }
0x1b4: {  	v22 =	vadd.s32 v43, v11;
	[tilespmem:v25+s28+$0x0] =	vst.idx.msk $0xffff, v18;
	v18 =	vld [tilespmem:s18+$0x10]  }
0x1b5: {  	[tilespmem:v23+s28+$0x0] =	vst.idx.msk $0xffff, v0;
	v0 =	vld [tilespmem:s18+$0x50];
	v23 =	vadd.s32 v56, v12  }
0x1b6: {  	[tilespmem:v27+s28+$0x0] =	vst.idx.msk $0xffff, v26;
	v24 =	vld [tilespmem:s18+$0x90];
	v25 =	vadd.s32 v58, v13  }
0x1b7: {  	v26 =	vld [tilespmem:s18+$0xFFFFFE10];
	v27 =	vadd.s32 v43, v47;
	[tilespmem:v20+s28+$0x0] =	vst.idx.msk $0xffff, v19  }
0x1b8: {  	v19 =	vld [tilespmem:s18+$0xD0];
	v20 =	vadd.s32 v60, v3;
	[tilespmem:v21+s28+$0x0] =	vst.idx.msk $0xffff, v17  }
0x1b9: {  	v17 =	vld [tilespmem:s18+$0x110];
	v21 =	vadd.s32 v61, v4;
	[tilespmem:v22+s28+$0x0] =	vst.idx.msk $0xffff, v18  }
0x1ba: {  	v18 =	vld [tilespmem:s18+$0x150];
	v22 =	vadd.s32 v63, v5;
	[tilespmem:v23+s28+$0x0] =	vst.idx.msk $0xffff, v0  }
0x1bb: {  	v0 =	vld [tilespmem:s18+$0x190];
	v23 =	vadd.s32 v1, v6;
	[tilespmem:v25+s28+$0x0] =	vst.idx.msk $0xffff, v24  }
0x1bc: {  	v24 =	vld [tilespmem:s18+$0xFFFFFE60];
	v25 =	vadd.s32 v33, v16;
	[tilespmem:v27+s28+$0x0] =	vst.idx.msk $0xffff, v26  }
0x1bd: {  	[tilespmem:v20+s28+$0x0] =	vst.idx.msk $0xffff, v19;
	v19 =	vld [tilespmem:s18+$0xFFFFFEA0];
	v20 =	vadd.s32 v41, v15  }
0x1be: {  	[tilespmem:v21+s28+$0x0] =	vst.idx.msk $0xffff, v17;
	v17 =	vld [tilespmem:s18+$0xFFFFFEE0];
	v21 =	vadd.s32 v36, v14  }
0x1bf: {  	[tilespmem:v22+s28+$0x0] =	vst.idx.msk $0xffff, v18;
	v18 =	vld [tilespmem:s18+$0xFFFFFF20];
	v22 =	vadd.s32 v44, v8  }
0x1c0: {  	[tilespmem:v23+s28+$0x0] =	vst.idx.msk $0xffff, v0;
	v0 =	vld [tilespmem:s18+$0xFFFFFF60];
	v23 =	vadd.s32 v42, v9  }
0x1c1: {  	[tilespmem:v25+s28+$0x0] =	vst.idx.msk $0xffff, v24;
	v24 =	vld [tilespmem:s18+$0xFFFFFFA0];
	v25 =	vadd.s32 v45, v38  }
0x1c2: {  	[tilespmem:v20+s28+$0x0] =	vst.idx.msk $0xffff, v19;
	v19 =	vld [tilespmem:s18+$0xFFFFFFE0];
	v20 =	vadd.s32 v2, v10  }
0x1c3: {  	[tilespmem:v21+s28+$0x0] =	vst.idx.msk $0xffff, v17;
	v17 =	vld [tilespmem:s18+$0x20];
	v21 =	vadd.s32 v46, v11  }
0x1c4: {  	[tilespmem:v22+s28+$0x0] =	vst.idx.msk $0xffff, v18;
	v18 =	vld [tilespmem:s18+$0x60];
	v22 =	vadd.s32 v33, v12  }
0x1c5: {  	[tilespmem:v23+s28+$0x0] =	vst.idx.msk $0xffff, v0;
	v0 =	vld [tilespmem:s18+$0xA0];
	v23 =	vadd.s32 v41, v13  }
0x1c6: {  	[tilespmem:v25+s28+$0x0] =	vst.idx.msk $0xffff, v24  }
0x1c7: {  	v24 =	vld [tilespmem:s18+$0xE0];
	v25 =	vadd.s32 v36, v3;
	[tilespmem:v20+s28+$0x0] =	vst.idx.msk $0xffff, v19  }
0x1c8: {  	v28 =	vld [tilespmem:s18+$0xFFFFFE20];
	[tilespmem:v21+s28+$0x0] =	vst.idx.msk $0xffff, v17  }
0x1c9: {  	v19 =	vld [tilespmem:s18+$0x120];
	v20 =	vadd.s32 v44, v4;
	[tilespmem:v22+s28+$0x0] =	vst.idx.msk $0xffff, v18  }
0x1ca: {  	v31 =	vadd.s32 v46, v47;
	v17 =	vld [tilespmem:s18+$0x160];
	[tilespmem:v23+s28+$0x0] =	vst.idx.msk $0xffff, v0  }
0x1cb: {  	v26 =	vadd.s32 v42, v5;
	v18 =	vld [tilespmem:s18+$0x1A0];
	[tilespmem:$0x1FD50] =	vst v33  }
0x1cc: {  	v27 =	vadd.s32 v45, v6;
	[tilespmem:v25+s28+$0x0] =	vst.idx.msk $0xffff, v24  }
0x1cd: {  	s12 =	simm.s32 $0x16;
	v23 =	vadd.s32 v53, v16;
	v0 =	vld [tilespmem:s18+$0xFFFFFE70];
	[tilespmem:$0x1FD60] =	vst v36  }
0x1ce: {  	s21 =	simm.s32 $0x13;
	s29 =	simm.s32 $0x14;
	v39 =	vadd.s32 v55, v14;
	v37 =	vmov s12;
	[tilespmem:v20+s28+$0x0] =	vst.idx.msk $0xffff, v19  }
0x1cf: {  	s19 =	simm.s32 $0x11;
	v35 =	vmov s29;
	v34 =	vmov s21;
	v7 =	vadd.s32 v57, v8;
	v24 =	vld [tilespmem:s18+$0xFFFFFEB0];
	[tilespmem:v31+s28+$0x0] =	vst.idx.msk $0xffff, v28  }
0x1d0: {  	s17 =	simm.s32 $0x10;
	s16 =	simm.s32 $0x18;
	v30 =	vmov s19;
	v8 =	vadd.s32 v59, v9;
	v25 =	vadd.s32 v54, v15;
	v38 =	vld [tilespmem:s18+$0xFFFFFEF0];
	[tilespmem:v26+s28+$0x0] =	vst.idx.msk $0xffff, v17  }
0x1d1: {  	s20 =	simm.s32 $0x12;
	s15 =	simm.s32 $0x17;
	v9 =	vshrl.u32 v34, $0x3;
	v21 =	vmov s17;
	v22 =	vmov s16;
	v40 =	vld [tilespmem:s18+$0xFFFFFF30];
	[tilespmem:v27+s28+$0x0] =	vst.idx.msk $0xffff, v18  }
0x1d2: {  	s30 =	simm.s32 $0x15;
	s19 =	simm.s32 $0x1A;
	s17 =	simm.s32 $0x19;
	v29 =	vshrl.u32 v21, $0x3;
	v33 =	vmov s20;
	v21 =	vmov s15;
	v16 =	vld [tilespmem:s18+$0xFFFFFF70];
	[tilespmem:v23+s28+$0x0] =	vst.idx.msk $0xffff, v0  }
0x1d3: {  	s21 =	simm.s32 $0x1C;
	v14 =	vmov s17;
	s20 =	simm.s32 $0x1B;
	v15 =	vmov s19;
	v36 =	vmov s30;
	v2 =	vld [tilespmem:$0x1FD70]  }
0x1d4: {  	s29 =	simm.s32 $0x1D;
	s30 =	simm.s32 $0x1E;
	v19 =	vmov s20;
	v20 =	vmov s21;
	v31 =	vadd.s32 v53, v12;
	v12 =	vld [tilespmem:s18+$0xB0]  }
0x1d5: {  	v13 =	vadd.s32 v54, v13;
	v17 =	vmov s29;
	v18 =	vmov s30;
	v26 =	vld [tilespmem:s18+$0xFFFFFFF0];
	[tilespmem:v25+s28+$0x0] =	vst.idx.msk $0xffff, v24  }
0x1d6: {  	v27 =	vld [tilespmem:s18+$0x30];
	v23 =	vshll.u32 v29, v32;
	v29 =	vadd.s32 v50, v10;
	v10 =	vshrl.u32 v36, $0x3;
	[tilespmem:v39+s28+$0x0] =	vst.idx.msk $0xffff, v38  }
0x1d7: {  	v0 =	vld [tilespmem:s18+$0xFFFFFFB0];
	v25 =	vshrl.u32 v30, $0x3;
	v24 =	vshrl.u32 v33, $0x3;
	v30 =	vadd.s32 v52, v11;
	[tilespmem:v7+s28+$0x0] =	vst.idx.msk $0xffff, v40  }
0x1d8: {  	s11 =	simm.s32 $0x1F;
	s9 =	simm.s32 $0x20;
	v7 =	vshrl.u32 v35, $0x3;
	v11 =	vld [tilespmem:s18+$0x70];
	[tilespmem:v8+s28+$0x0] =	vst.idx.msk $0xffff, v16;
	v8 =	vshrl.u32 v37, $0x3;
	v28 =	vadd.s32 v62, v2  }
.LBB2_8:
0x1d9: {  	v37 =	vld [tilespmem:$0x1FD80]  }
0x1da: {  	v36 =	vld [tilespmem:$0x1FD90]  }
0x1db: {  	v35 =	vld [tilespmem:$0x1FDA0]  }
0x1dc: {  	v34 =	vld [tilespmem:$0x1FDB0]  }
0x1dd: {  	v33 =	vld [tilespmem:$0x1FDC0]  }
0x1de: {  	v2 =	vld [tilespmem:$0x1FDE0]  }
0x1df: {  	v16 =	vshrl.u32 v21, $0x3;
	v21 =	vmov s11;
	[tilespmem:v28+s28+$0x0] =	vst.idx.msk $0xffff, v0;
	v0 =	vld [tilespmem:s18+$0xF0]  }
0x1e0: {  	v3 =	vadd.s32 v55, v3;
	v21 =	vshrl.u32 v21, $0x3;
	[tilespmem:v29+s28+$0x0] =	vst.idx.msk $0xffff, v26;
	v26 =	vld [tilespmem:s18+$0x130]  }
0x1e1: {  	v4 =	vadd.s32 v57, v4;
	v28 =	vshrl.u32 v14, $0x3;
	v14 =	vshll.u32 v21, v32;
	v21 =	vld [tilespmem:s18+$0x170]  }
0x1e2: {  	v5 =	vadd.s32 v59, v5;
	[tilespmem:v31+s28+$0x0] =	vst.idx.msk $0xffff, v11;
	v11 =	vld [tilespmem:s18+$0x1B0]  }
0x1e3: {  	v6 =	vadd.s32 v62, v6;
	v9 =	vshll.u32 v9, v32;
	[tilespmem:v30+s28+$0x0] =	vst.idx.msk $0xffff, v27;
	v31 =	vld [tilespmem:$0x1FDD0];
	v29 =	vbroadcast v14, $0x0  }
0x1e4: {  	v30 =	vadd.s32 v52, v47;
	v47 =	vbroadcast v23, $0x0;
	[tilespmem:v13+s28+$0x0] =	vst.idx.msk $0xffff, v12;
	v14 =	vshll.u32 v25, v32;
	v25 =	vld [tilespmem:s18+$0xFFFFFE30];
	s18 =	sadd.s32 $0x400, s18  }
0x1e5: {  	v12 =	vshll.u32 v24, v32;
	v14 =	vbroadcast v14, $0x0;
	v13 =	vld [tilespmem:s18+$0x1C0];
	v23 =	vadd.s32 v51, v29;
	[tilespmem:v3+s28+$0x0] =	vst.idx.msk $0xffff, v0  }
0x1e6: {  	v27 =	vshrl.u32 v15, $0x3;
	v15 =	vbroadcast v12, $0x0;
	v0 =	vld [tilespmem:s18+$0xFFFFFE00];
	v3 =	vadd.s32 v49, v47;
	[tilespmem:v4+s28+$0x0] =	vst.idx.msk $0xffff, v26  }
0x1e7: {  	v7 =	vshll.u32 v7, v32;
	v9 =	vbroadcast v9, $0x0;
	v12 =	vadd.s32 v48, v14;
	v4 =	vld [tilespmem:s18+$0xFFFFFE40];
	[tilespmem:v5+s28+$0x0] =	vst.idx.msk $0xffff, v21  }
0x1e8: {  	v7 =	vbroadcast v7, $0x0;
	v5 =	vld [tilespmem:s18+$0xFFFFFE80];
	v21 =	vadd.s32 v37, v15;
	[tilespmem:v6+s28+$0x0] =	vst.idx.msk $0xffff, v11  }
0x1e9: {  	v10 =	vshll.u32 v10, v32;
	v24 =	vadd.s32 v36, v9;
	v6 =	vld [tilespmem:s18+$0xFFFFFEC0];
	[tilespmem:v30+s28+$0x0] =	vst.idx.msk $0xffff, v25  }
0x1ea: {  	v8 =	vshll.u32 v8, v32;
	v10 =	vbroadcast v10, $0x0;
	v26 =	vadd.s32 v35, v7;
	v25 =	vld [tilespmem:s18+$0xFFFFFF00];
	[tilespmem:v23+s28+$0x0] =	vst.idx.msk $0xffff, v13  }
0x1eb: {  	v8 =	vbroadcast v8, $0x0;
	v23 =	vadd.s32 v31, v29;
	[tilespmem:v3+s28+$0x0] =	vst.idx.msk $0xffff, v0;
	v3 =	vld [tilespmem:s18+$0x1D0]  }
0x1ec: {  	v22 =	vshrl.u32 v22, $0x3;
	v30 =	vadd.s32 v34, v10;
	v0 =	vshll.u32 v16, v32;
	[tilespmem:v12+s28+$0x0] =	vst.idx.msk $0xffff, v4;
	v4 =	vld [tilespmem:s18+$0xFFFFFF40]  }
0x1ed: {  	v19 =	vshrl.u32 v19, $0x3;
	[tilespmem:v21+s28+$0x0] =	vst.idx.msk $0xffff, v5;
	v5 =	vld [tilespmem:s18+$0xFFFFFF80];
	v21 =	vadd.s32 v33, v8;
	v11 =	vbroadcast v0, $0x0  }
0x1ee: {  	v20 =	vshrl.u32 v20, $0x3;
	v18 =	vshrl.u32 v18, $0x3;
	[tilespmem:v24+s28+$0x0] =	vst.idx.msk $0xffff, v6;
	v6 =	vld [tilespmem:s18+$0xFFFFFFC0];
	v0 =	vshll.u32 v22, v32  }
0x1ef: {  	[tilespmem:v26+s28+$0x0] =	vst.idx.msk $0xffff, v25;
	v25 =	vld [tilespmem:s18+$0x40];
	v12 =	vbroadcast v0, $0x0;
	v0 =	vshll.u32 v28, v32;
	v22 =	vadd.s32 v51, v11  }
0x1f0: {  	v19 =	vshll.u32 v19, v32;
	v16 =	vshll.u32 v27, v32;
	v28 =	vld [tilespmem:$0x1FD50];
	v13 =	vbroadcast v0, $0x0;
	[tilespmem:v23+s28+$0x0] =	vst.idx.msk $0xffff, v3  }
0x1f1: {  	v16 =	vbroadcast v16, $0x0;
	v0 =	vshrl.u32 v17, $0x3;
	v17 =	vld [tilespmem:s18+$0x0];
	v24 =	vadd.s32 v49, v12;
	[tilespmem:v30+s28+$0x0] =	vst.idx.msk $0xffff, v4  }
0x1f2: {  	v0 =	vshll.u32 v0, v32;
	v26 =	vadd.s32 v48, v13;
	v3 =	vbroadcast v19, $0x0;
	[tilespmem:v21+s28+$0x0] =	vst.idx.msk $0xffff, v5;
	v21 =	vld [tilespmem:s18+$0x80]  }
0x1f3: {  	v4 =	vshll.u32 v20, v32;
	v20 =	vadd.s32 v2, v29;
	v23 =	vadd.s32 v37, v16;
	v19 =	vld [tilespmem:s18+$0x1E0]  }
0x1f4: {  	v5 =	vbroadcast v0, $0x0;
	v0 =	vshll.u32 v18, v32;
	v4 =	vbroadcast v4, $0x0;
	[tilespmem:v22+s28+$0x0] =	vst.idx.msk $0xffff, v6;
	v22 =	vld [tilespmem:s18+$0xC0]  }
0x1f5: {  	v27 =	vadd.s32 v36, v3;
	v6 =	vbroadcast v0, $0x0;
	v0 =	vld [tilespmem:s18+$0x140]  }
0x1f6: {  	v18 =	vadd.s32 v35, v4;
	[tilespmem:v24+s28+$0x0] =	vst.idx.msk $0xffff, v17;
	v17 =	vld [tilespmem:s18+$0x100]  }
0x1f7: {  	v24 =	vadd.s32 v34, v5;
	[tilespmem:v26+s28+$0x0] =	vst.idx.msk $0xffff, v25;
	v25 =	vld [tilespmem:s18+$0x180]  }
0x1f8: {  	v26 =	vadd.s32 v33, v6;
	[tilespmem:v23+s28+$0x0] =	vst.idx.msk $0xffff, v21;
	v21 =	vld [tilespmem:s18+$0xFFFFFE50]  }
0x1f9: {  	v23 =	vadd.s32 v56, v14;
	[tilespmem:v20+s28+$0x0] =	vst.idx.msk $0xffff, v19;
	v20 =	vadd.s32 v50, v29;
	v29 =	vld [tilespmem:$0x1FD60]  }
0x1fa: {  	v19 =	vld [tilespmem:s18+$0x1F0];
	[tilespmem:v27+s28+$0x0] =	vst.idx.msk $0xffff, v22  }
0x1fb: {  	v22 =	vld [tilespmem:s18+$0xFFFFFE90];
	v27 =	vadd.s32 v58, v15;
	[tilespmem:v18+s28+$0x0] =	vst.idx.msk $0xffff, v17  }
0x1fc: {  	v17 =	vld [tilespmem:s18+$0xFFFFFED0];
	v18 =	vadd.s32 v60, v9;
	[tilespmem:v24+s28+$0x0] =	vst.idx.msk $0xffff, v0  }
0x1fd: {  	v0 =	vld [tilespmem:s18+$0xFFFFFF10];
	v24 =	vadd.s32 v61, v7;
	[tilespmem:v26+s28+$0x0] =	vst.idx.msk $0xffff, v25  }
0x1fe: {  	v25 =	vld [tilespmem:s18+$0xFFFFFF50];
	v26 =	vadd.s32 v63, v10;
	[tilespmem:v23+s28+$0x0] =	vst.idx.msk $0xffff, v21  }
0x1ff: {  	[tilespmem:v20+s28+$0x0] =	vst.idx.msk $0xffff, v19;
	v19 =	vld [tilespmem:s18+$0xFFFFFF90];
	v20 =	vadd.s32 v1, v8  }
0x200: {  	v21 =	vld [tilespmem:s18+$0xFFFFFFD0];
	[tilespmem:v27+s28+$0x0] =	vst.idx.msk $0xffff, v22;
	v22 =	vadd.s32 v31, v11  }
0x201: {  	[tilespmem:v18+s28+$0x0] =	vst.idx.msk $0xffff, v17;
	v17 =	vld [tilespmem:s18+$0x10];
	v18 =	vadd.s32 v43, v12  }
0x202: {  	v23 =	vadd.s32 v56, v13;
	[tilespmem:v24+s28+$0x0] =	vst.idx.msk $0xffff, v0;
	v0 =	vld [tilespmem:s18+$0x50]  }
0x203: {  	v24 =	vld [tilespmem:s18+$0x90];
	[tilespmem:v26+s28+$0x0] =	vst.idx.msk $0xffff, v25;
	v25 =	vadd.s32 v58, v16  }
0x204: {  	v27 =	vadd.s32 v43, v47;
	v26 =	vld [tilespmem:s18+$0xFFFFFE10];
	[tilespmem:v20+s28+$0x0] =	vst.idx.msk $0xffff, v19  }
0x205: {  	v19 =	vld [tilespmem:s18+$0xD0];
	v20 =	vadd.s32 v60, v3;
	[tilespmem:v22+s28+$0x0] =	vst.idx.msk $0xffff, v21  }
0x206: {  	v21 =	vld [tilespmem:s18+$0x110];
	v22 =	vadd.s32 v61, v4;
	[tilespmem:v18+s28+$0x0] =	vst.idx.msk $0xffff, v17  }
0x207: {  	v17 =	vld [tilespmem:s18+$0x150];
	v18 =	vadd.s32 v63, v5;
	[tilespmem:v23+s28+$0x0] =	vst.idx.msk $0xffff, v0  }
0x208: {  	v0 =	vld [tilespmem:s18+$0x190];
	v23 =	vadd.s32 v1, v6;
	[tilespmem:v25+s28+$0x0] =	vst.idx.msk $0xffff, v24  }
0x209: {  	v24 =	vld [tilespmem:s18+$0xFFFFFE60];
	v25 =	vadd.s32 v28, v14;
	[tilespmem:v27+s28+$0x0] =	vst.idx.msk $0xffff, v26  }
0x20a: {  	[tilespmem:v20+s28+$0x0] =	vst.idx.msk $0xffff, v19;
	v19 =	vld [tilespmem:s18+$0xFFFFFEA0];
	v20 =	vadd.s32 v41, v15  }
0x20b: {  	[tilespmem:v22+s28+$0x0] =	vst.idx.msk $0xffff, v21;
	v21 =	vld [tilespmem:s18+$0xFFFFFEE0];
	v22 =	vadd.s32 v29, v9  }
0x20c: {  	[tilespmem:v18+s28+$0x0] =	vst.idx.msk $0xffff, v17;
	v17 =	vld [tilespmem:s18+$0xFFFFFF20];
	v18 =	vadd.s32 v44, v7  }
0x20d: {  	[tilespmem:v23+s28+$0x0] =	vst.idx.msk $0xffff, v0;
	v0 =	vld [tilespmem:s18+$0xFFFFFF60];
	v23 =	vadd.s32 v42, v10  }
0x20e: {  	[tilespmem:v25+s28+$0x0] =	vst.idx.msk $0xffff, v24;
	v24 =	vld [tilespmem:s18+$0xFFFFFFA0];
	v25 =	vadd.s32 v45, v8  }
0x20f: {  	[tilespmem:v20+s28+$0x0] =	vst.idx.msk $0xffff, v19;
	v19 =	vld [tilespmem:s18+$0xFFFFFFE0];
	v20 =	vadd.s32 v2, v11  }
0x210: {  	[tilespmem:v22+s28+$0x0] =	vst.idx.msk $0xffff, v21;
	v21 =	vld [tilespmem:s18+$0x20];
	v22 =	vadd.s32 v46, v12  }
0x211: {  	[tilespmem:v18+s28+$0x0] =	vst.idx.msk $0xffff, v17;
	v17 =	vld [tilespmem:s18+$0x60];
	v18 =	vadd.s32 v28, v13  }
0x212: {  	[tilespmem:v23+s28+$0x0] =	vst.idx.msk $0xffff, v0;
	v0 =	vld [tilespmem:s18+$0xA0];
	v23 =	vadd.s32 v41, v16  }
0x213: {  	v9 =	vadd.s32 v55, v9;
	v37 =	vld [tilespmem:s18+$0xFFFFFEF0];
	[tilespmem:v25+s28+$0x0] =	vst.idx.msk $0xffff, v24  }
0x214: {  	v24 =	vld [tilespmem:s18+$0xE0];
	v25 =	vadd.s32 v29, v3;
	[tilespmem:v20+s28+$0x0] =	vst.idx.msk $0xffff, v19  }
0x215: {  	v28 =	vld [tilespmem:s18+$0xFFFFFE20];
	v29 =	vadd.s32 v46, v47;
	[tilespmem:v22+s28+$0x0] =	vst.idx.msk $0xffff, v21  }
0x216: {  	v39 =	vadd.s32 v57, v7;
	v38 =	vld [tilespmem:s18+$0xFFFFFF30];
	[tilespmem:v18+s28+$0x0] =	vst.idx.msk $0xffff, v17  }
0x217: {  	s20 =	sadd.s32 $0x1, s9;
	s30 =	sadd.s32 $0x5, s9;
	v2 =	vmov v51;
	v51 =	vadd.s32 v59, v10;
	v40 =	vld [tilespmem:s18+$0xFFFFFF70];
	[tilespmem:v23+s28+$0x0] =	vst.idx.msk $0xffff, v0  }
0x218: {  	s12 =	sadd.s32 $0x3, s9;
	s29 =	sadd.s32 $0x4, s9;
	v30 =	vmov s20;
	v35 =	vmov s30;
	v19 =	vld [tilespmem:s18+$0x120];
	v20 =	vadd.s32 v44, v4;
	[tilespmem:v9+s28+$0x0] =	vst.idx.msk $0xffff, v37  }
0x219: {  	s21 =	sadd.s32 $0x2, s9;
	v34 =	vmov s29;
	v33 =	vmov s12;
	s12 =	sadd.s32 $0x6, s9;
	v26 =	vadd.s32 v42, v5;
	v22 =	vld [tilespmem:s18+$0x160];
	[tilespmem:v25+s28+$0x0] =	vst.idx.msk $0xffff, v24  }
0x21a: {  	v36 =	vmov s12;
	v31 =	vmov s21;
	v17 =	vld [tilespmem:s18+$0x1A0];
	v18 =	vadd.s32 v45, v6;
	[tilespmem:v29+s28+$0x0] =	vst.idx.msk $0xffff, v28  }
0x21b: {  	v7 =	vshrl.u32 v34, $0x3;
	v21 =	vmov s9;
	v0 =	vld [tilespmem:s18+$0xFFFFFE70];
	v23 =	vadd.s32 v53, v14;
	[tilespmem:v39+s28+$0x0] =	vst.idx.msk $0xffff, v38  }
0x21c: {  	s15 =	sadd.s32 $0x7, s9;
	s17 =	sadd.s32 $0x9, s9;
	v10 =	vshrl.u32 v35, $0x3;
	v27 =	vshrl.u32 v21, $0x3;
	v24 =	vld [tilespmem:s18+$0xFFFFFEB0];
	v25 =	vadd.s32 v54, v15;
	[tilespmem:v51+s28+$0x0] =	vst.idx.msk $0xffff, v40  }
0x21d: {  	p1 =	slt.u32 s9, $0x70;
	s19 =	sadd.s32 $0xA, s9;
	v41 =	vld [tilespmem:$0x1FDF0];
	v21 =	vmov s15;
	v14 =	vmov s17;
	v9 =	vshrl.u32 v33, $0x3;
	[tilespmem:v20+s28+$0x0] =	vst.idx.msk $0xffff, v19  }
.Ltmp2:
0x21e: {  	s20 =	sadd.s32 $0xB, s9;
	s21 =	sadd.s32 $0xC, s9;
	v15 =	vmov s19;
	v28 =	vadd.s32 v62, v8;
	v29 =	vadd.s32 v50, v11;
	v11 =	vld [tilespmem:s18+$0x70];
	[tilespmem:v26+s28+$0x0] =	vst.idx.msk $0xffff, v22;
	(pc) =	sbr.rel @p1 .LBB2_8-.Ltmp2, $4  }
0x21f: {  	s16 =	sadd.s32 $0x8, s9;
	s29 =	sadd.s32 $0xD, s9;
	v8 =	vshrl.u32 v36, $0x3;
	v19 =	vmov s20;
	v20 =	vmov s21;
	v26 =	vld [tilespmem:s18+$0xFFFFFFF0];
	[tilespmem:v18+s28+$0x0] =	vst.idx.msk $0xffff, v17  }
0x220: {  	s30 =	sadd.s32 $0xE, s9;
	v22 =	vmov s16;
	v17 =	vmov s29;
	[tilespmem:v23+s28+$0x0] =	vst.idx.msk $0xffff, v0;
	v0 =	vld [tilespmem:s18+$0xFFFFFFB0];
	v23 =	vshll.u32 v27, v32  }
0x221: {  	v18 =	vmov s30;
	v27 =	vld [tilespmem:s18+$0x30];
	[tilespmem:v25+s28+$0x0] =	vst.idx.msk $0xffff, v24;
	v25 =	vshrl.u32 v30, $0x3;
	v24 =	vshrl.u32 v31, $0x3  }
0x222: {  	s11 =	sadd.s32 $0xF, s9;
	s9 =	sadd.s32 $0x10, s9;
	v51 =	vmovc v2;
	v30 =	vadd.s32 v52, v12;
	v31 =	vadd.s32 v53, v13;
	v12 =	vld [tilespmem:s18+$0xB0];
	v13 =	vadd.s32 v54, v16  }
0x223: {  	_ =	sdelay $0x3  }
0x224: {  	v40 =	vmov s11;
	v33 =	vld [tilespmem:s18+$0xF0];
	v34 =	vadd.s32 v55, v3;
	[tilespmem:v31+s28+$0x0] =	vst.idx.msk $0xffff, v11  }
0x225: {  	v16 =	vshrl.u32 v21, $0x3;
	v21 =	vld [tilespmem:s18+$0x130];
	v36 =	vadd.s32 v57, v4;
	v35 =	vshrl.u32 v40, $0x3;
	[tilespmem:v29+s28+$0x0] =	vst.idx.msk $0xffff, v26  }
0x226: {  	v37 =	vld [tilespmem:s18+$0x170];
	v38 =	vadd.s32 v59, v5;
	[tilespmem:v28+s28+$0x0] =	vst.idx.msk $0xffff, v0;
	v3 =	vshll.u32 v35, v32  }
0x227: {  	v11 =	vld [tilespmem:s18+$0x1B0];
	v35 =	vadd.s32 v62, v6;
	[tilespmem:v30+s28+$0x0] =	vst.idx.msk $0xffff, v27;
	v30 =	vbroadcast v3, $0x0  }
0x228: {  	s9 =	sadd.s32 $0x400, s18;
	v40 =	vshll.u32 v25, v32;
	v25 =	vadd.s32 v52, v47;
	v3 =	vbroadcast v23, $0x0;
	v23 =	vld [tilespmem:s18+$0xFFFFFE30];
	[tilespmem:v13+s28+$0x0] =	vst.idx.msk $0xffff, v12  }
0x229: {  	v2 =	vbroadcast v40, $0x0;
	v12 =	vld [tilespmem:s9+$0x1C0];
	v13 =	vadd.s32 v51, v30;
	[tilespmem:v34+s28+$0x0] =	vst.idx.msk $0xffff, v33  }
0x22a: {  	v33 =	vld [tilespmem:s9+$0xFFFFFE00];
	v34 =	vadd.s32 v49, v3;
	[tilespmem:v36+s28+$0x0] =	vst.idx.msk $0xffff, v21  }
0x22b: {  	v39 =	vshll.u32 v9, v32;
	v9 =	vld [tilespmem:s9+$0xFFFFFE40];
	v21 =	vadd.s32 v48, v2;
	[tilespmem:v38+s28+$0x0] =	vst.idx.msk $0xffff, v37  }
0x22c: {  	v38 =	vld [tilespmem:$0x1FD80];
	[tilespmem:v35+s28+$0x0] =	vst.idx.msk $0xffff, v11  }
0x22d: {  	v37 =	vld [tilespmem:$0x1FD90];
	[tilespmem:v25+s28+$0x0] =	vst.idx.msk $0xffff, v23  }
0x22e: {  	v47 =	vshll.u32 v24, v32;
	v36 =	vld [tilespmem:$0x1FDA0];
	[tilespmem:v13+s28+$0x0] =	vst.idx.msk $0xffff, v12  }
0x22f: {  	v26 =	vld [tilespmem:s9+$0xFFFFFE80];
	v4 =	vbroadcast v47, $0x0;
	[tilespmem:v34+s28+$0x0] =	vst.idx.msk $0xffff, v33  }
0x230: {  	v5 =	vbroadcast v39, $0x0;
	v40 =	vshll.u32 v7, v32;
	v35 =	vshll.u32 v10, v32;
	v33 =	vld [tilespmem:$0x1FDD0];
	[tilespmem:v21+s28+$0x0] =	vst.idx.msk $0xffff, v9  }
0x231: {  	v6 =	vbroadcast v40, $0x0;
	v7 =	vbroadcast v35, $0x0;
	v47 =	vadd.s32 v38, v4;
	v35 =	vld [tilespmem:$0x1FDB0]  }
0x232: {  	v11 =	vld [tilespmem:s9+$0xFFFFFEC0];
	v28 =	vadd.s32 v37, v5  }
0x233: {  	v23 =	vld [tilespmem:s9+$0xFFFFFF00];
	v25 =	vadd.s32 v36, v6  }
0x234: {  	v22 =	vshrl.u32 v22, $0x3;
	v14 =	vshrl.u32 v14, $0x3;
	v39 =	vshll.u32 v16, v32;
	v27 =	vld [tilespmem:s9+$0xFFFFFFC0]  }
0x235: {  	v40 =	vshll.u32 v22, v32;
	v13 =	vld [tilespmem:s9+$0x1D0];
	v9 =	vbroadcast v39, $0x0;
	v16 =	vadd.s32 v33, v30  }
0x236: {  	v10 =	vbroadcast v40, $0x0;
	v21 =	vld [tilespmem:s9+$0xFFFFFF40];
	[tilespmem:v47+s28+$0x0] =	vst.idx.msk $0xffff, v26;
	v47 =	vshll.u32 v14, v32;
	v24 =	vadd.s32 v35, v7  }
0x237: {  	v34 =	vld [tilespmem:$0x1FDC0];
	[tilespmem:v28+s28+$0x0] =	vst.idx.msk $0xffff, v11;
	v28 =	vadd.s32 v51, v9;
	v11 =	vbroadcast v47, $0x0  }
0x238: {  	v15 =	vshrl.u32 v15, $0x3;
	v0 =	vshrl.u32 v17, $0x3;
	v17 =	vld [tilespmem:s9+$0x0];
	[tilespmem:v25+s28+$0x0] =	vst.idx.msk $0xffff, v23;
	v23 =	vadd.s32 v49, v10  }
0x239: {  	v51 =	vshll.u32 v15, v32;
	v25 =	vld [tilespmem:s9+$0x40];
	v39 =	vadd.s32 v48, v11  }
0x23a: {  	v19 =	vshrl.u32 v19, $0x3;
	v8 =	vshll.u32 v8, v32;
	v22 =	vld [tilespmem:s9+$0xFFFFFF80];
	v12 =	vbroadcast v51, $0x0;
	[tilespmem:v16+s28+$0x0] =	vst.idx.msk $0xffff, v13  }
0x23b: {  	v18 =	vshrl.u32 v18, $0x3;
	v8 =	vbroadcast v8, $0x0;
	v0 =	vshll.u32 v0, v32;
	v49 =	vld [tilespmem:s9+$0x80];
	[tilespmem:v24+s28+$0x0] =	vst.idx.msk $0xffff, v21  }
0x23c: {  	v40 =	vshll.u32 v19, v32;
	v15 =	vbroadcast v0, $0x0;
	v51 =	vadd.s32 v38, v12;
	v31 =	vld [tilespmem:$0x1FDE0];
	[tilespmem:v28+s28+$0x0] =	vst.idx.msk $0xffff, v27  }
0x23d: {  	v20 =	vshrl.u32 v20, $0x3;
	v38 =	vld [tilespmem:s9+$0x140];
	v26 =	vadd.s32 v34, v8;
	v28 =	vshll.u32 v18, v32;
	[tilespmem:v23+s28+$0x0] =	vst.idx.msk $0xffff, v17  }
0x23e: {  	v13 =	vbroadcast v40, $0x0;
	v40 =	vld [tilespmem:s9+$0x180];
	v16 =	vbroadcast v28, $0x0;
	[tilespmem:v39+s28+$0x0] =	vst.idx.msk $0xffff, v25;
	v39 =	vadd.s32 v35, v15  }
0x23f: {  	v29 =	vadd.s32 v43, v10;
	v47 =	vshll.u32 v20, v32;
	v28 =	vld [tilespmem:s9+$0x10]  }
0x240: {  	v14 =	vbroadcast v47, $0x0;
	v19 =	vld [tilespmem:s9+$0x1E0];
	v47 =	vadd.s32 v34, v16  }
0x241: {  	v24 =	vld [tilespmem:s9+$0xC0];
	[tilespmem:v51+s28+$0x0] =	vst.idx.msk $0xffff, v49;
	v48 =	vadd.s32 v31, v30  }
0x242: {  	v49 =	vld [tilespmem:s9+$0xFFFFFE50];
	v51 =	vadd.s32 v56, v2;
	[tilespmem:v26+s28+$0x0] =	vst.idx.msk $0xffff, v22  }
0x243: {  	v17 =	vld [tilespmem:s9+$0x100];
	v26 =	vadd.s32 v37, v13;
	[tilespmem:v39+s28+$0x0] =	vst.idx.msk $0xffff, v38  }
0x244: {  	v35 =	vld [tilespmem:s9+$0xFFFFFED0];
	v37 =	vadd.s32 v36, v14;
	[tilespmem:v29+s28+$0x0] =	vst.idx.msk $0xffff, v28  }
0x245: {  	v36 =	vadd.s32 v60, v5;
	v39 =	vld [tilespmem:s9+$0xFFFFFF50];
	[tilespmem:v47+s28+$0x0] =	vst.idx.msk $0xffff, v40  }
0x246: {  	v34 =	vadd.s32 v58, v4;
	[tilespmem:v48+s28+$0x0] =	vst.idx.msk $0xffff, v19;
	v48 =	vadd.s32 v50, v30;
	v30 =	vld [tilespmem:s9+$0xFFFFFE90]  }
0x247: {  	[tilespmem:v51+s28+$0x0] =	vst.idx.msk $0xffff, v49;
	v19 =	vld [tilespmem:s9+$0x1F0]  }
0x248: {  	v40 =	vadd.s32 v63, v7;
	v47 =	vld [tilespmem:s9+$0xFFFFFF90];
	[tilespmem:v26+s28+$0x0] =	vst.idx.msk $0xffff, v24  }
0x249: {  	v49 =	vld [tilespmem:s9+$0xFFFFFFD0];
	v51 =	vadd.s32 v33, v9;
	[tilespmem:v37+s28+$0x0] =	vst.idx.msk $0xffff, v17  }
0x24a: {  	v38 =	vadd.s32 v61, v6;
	v37 =	vld [tilespmem:s9+$0xFFFFFF10];
	[tilespmem:v36+s28+$0x0] =	vst.idx.msk $0xffff, v35  }
0x24b: {  	v33 =	vadd.s32 v56, v11;
	[tilespmem:v34+s28+$0x0] =	vst.idx.msk $0xffff, v30;
	v30 =	vld [tilespmem:s9+$0x50]  }
0x24c: {  	v36 =	vld [tilespmem:s9+$0xD0];
	[tilespmem:v48+s28+$0x0] =	vst.idx.msk $0xffff, v19;
	v48 =	vadd.s32 v1, v8  }
0x24d: {  	v35 =	vadd.s32 v58, v12;
	[tilespmem:v40+s28+$0x0] =	vst.idx.msk $0xffff, v39;
	v34 =	vld [tilespmem:s9+$0x90]  }
0x24e: {  	[tilespmem:v51+s28+$0x0] =	vst.idx.msk $0xffff, v49;
	v40 =	vld [tilespmem:s9+$0x150]  }
0x24f: {  	v51 =	vld [tilespmem:s9+$0xFFFFFE10];
	[tilespmem:v38+s28+$0x0] =	vst.idx.msk $0xffff, v37;
	v37 =	vadd.s32 v60, v13  }
0x250: {  	v39 =	vadd.s32 v61, v14;
	v38 =	vld [tilespmem:s9+$0x110];
	[tilespmem:v33+s28+$0x0] =	vst.idx.msk $0xffff, v30  }
0x251: {  	v56 =	vadd.s32 v43, v3;
	[tilespmem:v48+s28+$0x0] =	vst.idx.msk $0xffff, v47;
	v48 =	vld [tilespmem:s9+$0x190]  }
0x252: {  	[tilespmem:v35+s28+$0x0] =	vst.idx.msk $0xffff, v34;
	v47 =	vadd.s32 v63, v15;
	v63 =	vld [tilespmem:s9+$0xFFFFFEA0]  }
0x253: {  	v49 =	vadd.s32 v1, v16;
	v60 =	vld [tilespmem:$0x1FD50]  }
0x254: {  	v33 =	vadd.s32 v41, v4;
	[tilespmem:v37+s28+$0x0] =	vst.idx.msk $0xffff, v36;
	v36 =	vld [tilespmem:s9+$0xFFFFFF20]  }
0x255: {  	[tilespmem:v39+s28+$0x0] =	vst.idx.msk $0xffff, v38;
	v37 =	vadd.s32 v44, v6;
	v38 =	vld [tilespmem:s9+$0xFFFFFF60]  }
0x256: {  	v39 =	vadd.s32 v42, v7;
	v28 =	vld [tilespmem:$0x1FD60];
	[tilespmem:v56+s28+$0x0] =	vst.idx.msk $0xffff, v51  }
0x257: {  	v43 =	vadd.s32 v45, v8;
	[tilespmem:v47+s28+$0x0] =	vst.idx.msk $0xffff, v40;
	v40 =	vld [tilespmem:s9+$0xFFFFFFA0]  }
0x258: {  	[tilespmem:v49+s28+$0x0] =	vst.idx.msk $0xffff, v48;
	v47 =	vld [tilespmem:s9+$0xFFFFFFE0];
	v48 =	vadd.s32 v31, v9  }
0x259: {  	v51 =	vadd.s32 v46, v10;
	[tilespmem:v33+s28+$0x0] =	vst.idx.msk $0xffff, v63;
	v49 =	vld [tilespmem:s9+$0x20]  }
0x25a: {  	v30 =	vld [tilespmem:s9+$0x120];
	v31 =	vadd.s32 v44, v14;
	[tilespmem:v37+s28+$0x0] =	vst.idx.msk $0xffff, v36  }
0x25b: {  	v58 =	vld [tilespmem:s9+$0xFFFFFE60];
	v61 =	vadd.s32 v60, v2;
	[tilespmem:v39+s28+$0x0] =	vst.idx.msk $0xffff, v38  }
0x25c: {  	v26 =	vld [tilespmem:s9+$0xFFFFFE20];
	v37 =	vadd.s32 v46, v3;
	[tilespmem:v43+s28+$0x0] =	vst.idx.msk $0xffff, v40  }
0x25d: {  	v4 =	vadd.s32 v54, v4;
	v39 =	vld [tilespmem:s9+$0xFFFFFEB0];
	[tilespmem:v48+s28+$0x0] =	vst.idx.msk $0xffff, v47  }
0x25e: {  	v34 =	vld [tilespmem:s9+$0xFFFFFEE0];
	v35 =	vadd.s32 v28, v5;
	[tilespmem:v51+s28+$0x0] =	vst.idx.msk $0xffff, v49  }
0x25f: {  	v63 =	vld [tilespmem:s9+$0xE0];
	v29 =	vadd.s32 v28, v13;
	[tilespmem:v31+s28+$0x0] =	vst.idx.msk $0xffff, v30  }
0x260: {  	v56 =	vld [tilespmem:s9+$0x60];
	[tilespmem:v61+s28+$0x0] =	vst.idx.msk $0xffff, v58;
	v58 =	vadd.s32 v60, v11  }
0x261: {  	v60 =	vld [tilespmem:s9+$0xA0];
	v61 =	vadd.s32 v41, v12;
	[tilespmem:v37+s28+$0x0] =	vst.idx.msk $0xffff, v26  }
0x262: {  	v6 =	vadd.s32 v57, v6;
	v41 =	vld [tilespmem:s9+$0xFFFFFF30];
	[tilespmem:v4+s28+$0x0] =	vst.idx.msk $0xffff, v39  }
0x263: {  	v44 =	vadd.s32 v62, v8;
	v43 =	vld [tilespmem:s9+$0xFFFFFFB0];
	[tilespmem:v35+s28+$0x0] =	vst.idx.msk $0xffff, v34  }
0x264: {  	v36 =	vadd.s32 v45, v16;
	v46 =	vadd.s32 v50, v9;
	v45 =	vld [tilespmem:s9+$0xFFFFFFF0];
	[tilespmem:v29+s28+$0x0] =	vst.idx.msk $0xffff, v63  }
0x265: {  	v48 =	vadd.s32 v52, v10;
	v47 =	vld [tilespmem:s9+$0x30];
	[tilespmem:v58+s28+$0x0] =	vst.idx.msk $0xffff, v56  }
0x266: {  	v33 =	vld [tilespmem:s9+$0x160];
	v34 =	vadd.s32 v42, v15;
	[tilespmem:v61+s28+$0x0] =	vst.idx.msk $0xffff, v60  }
0x267: {  	v35 =	vld [tilespmem:s9+$0x1A0];
	[tilespmem:v6+s28+$0x0] =	vst.idx.msk $0xffff, v41  }
0x268: {  	v2 =	vadd.s32 v53, v2;
	v38 =	vld [tilespmem:s9+$0xFFFFFE70];
	[tilespmem:v44+s28+$0x0] =	vst.idx.msk $0xffff, v43  }
0x269: {  	v7 =	vadd.s32 v59, v7;
	v42 =	vld [tilespmem:s9+$0xFFFFFF70];
	[tilespmem:v46+s28+$0x0] =	vst.idx.msk $0xffff, v45  }
0x26a: {  	v3 =	vadd.s32 v52, v3;
	v63 =	vld [tilespmem:s9+$0xFFFFFE30];
	[tilespmem:v48+s28+$0x0] =	vst.idx.msk $0xffff, v47  }
0x26b: {  	v50 =	vadd.s32 v53, v11;
	v5 =	vadd.s32 v55, v5;
	v40 =	vld [tilespmem:s9+$0xFFFFFEF0];
	[tilespmem:v34+s28+$0x0] =	vst.idx.msk $0xffff, v33  }
0x26c: {  	v53 =	vadd.s32 v54, v12;
	v55 =	vadd.s32 v55, v13;
	v54 =	vld [tilespmem:s9+$0xF0];
	[tilespmem:v36+s28+$0x0] =	vst.idx.msk $0xffff, v35  }
0x26d: {  	v57 =	vadd.s32 v57, v14;
	v56 =	vld [tilespmem:s9+$0x130];
	[tilespmem:v2+s28+$0x0] =	vst.idx.msk $0xffff, v38  }
0x26e: {  	v49 =	vld [tilespmem:s9+$0x70];
	[tilespmem:v7+s28+$0x0] =	vst.idx.msk $0xffff, v42  }
0x26f: {  	v51 =	vld [tilespmem:s9+$0xB0];
	[tilespmem:v3+s28+$0x0] =	vst.idx.msk $0xffff, v63  }
0x270: {  	v60 =	vadd.s32 v59, v15;
	[tilespmem:v5+s28+$0x0] =	vst.idx.msk $0xffff, v40;
	v58 =	vld [tilespmem:s9+$0x170]  }
0x271: {  	v62 =	vadd.s32 v62, v16;
	v61 =	vld [tilespmem:s9+$0x1B0];
	[tilespmem:v55+s28+$0x0] =	vst.idx.msk $0xffff, v54  }
0x272: {  	[tilespmem:v57+s28+$0x0] =	vst.idx.msk $0xffff, v56  }
0x273: {  	[tilespmem:v50+s28+$0x0] =	vst.idx.msk $0xffff, v49  }
0x274: {  	[tilespmem:v53+s28+$0x0] =	vst.idx.msk $0xffff, v51  }
0x275: {  	[tilespmem:v60+s28+$0x0] =	vst.idx.msk $0xffff, v58  }
0x276: {  	s12 =	sadd.s32 $0x0, s4;
	s9 =	sadd.s32 s2, s10;
	[tilespmem:v62+s28+$0x0] =	vst.idx.msk $0xffff, v61  }
0x277: {  	[hbm4b:s9+s3] =	stream.linear.scatter [tilespmem:s12], [sflag:$0x4], $0x80, $0x38;
	[tilespmem:$0x10A00] =	vst v63  }
0x278: {  	s29 =	sadd.s32 $0x88, s12;
	s30 =	sadd.s32 $0x10, s9  }
0x279: {  	[hbm4b:s30+s3] =	stream.linear.scatter [tilespmem:s29], [sflag:$0x4], $0x80, $0x38;
	[tilespmem:$0x10A00] =	vst v63  }
0x27a: {  	s11 =	sadd.s32 $0x110, s12;
	s16 =	sadd.s32 $0x198, s12;
	s15 =	sadd.s32 $0x20, s9  }
0x27b: {  	[hbm4b:s15+s3] =	stream.linear.scatter [tilespmem:s11], [sflag:$0x4], $0x80, $0x38;
	[tilespmem:$0x10A00] =	vst v63  }
0x27c: {  	s20 =	sadd.s32 $0x2A8, s12;
	s18 =	sadd.s32 $0x220, s12;
	s17 =	sadd.s32 $0x30, s9  }
0x27d: {  	[hbm4b:s17+s3] =	stream.linear.scatter [tilespmem:s16], [sflag:$0x4], $0x80, $0x38;
	[tilespmem:$0x10A00] =	vst v63  }
0x27e: {  	s10 =	simm.s32 $0x440;
	s19 =	sadd.s32 $0x40, s9;
	s21 =	sadd.s32 $0x50, s9  }
0x27f: {  	[hbm4b:s19+s3] =	stream.linear.scatter [tilespmem:s18], [sflag:$0x4], $0x80, $0x38;
	[tilespmem:$0x10A00] =	vst v63  }
0x280: {  	s29 =	sadd.s32 $0x330, s12;
	s30 =	sadd.s32 $0x60, s9;
	s12 =	sadd.s32 $0x3B8, s12  }
0x281: {  	[hbm4b:s21+s3] =	stream.linear.scatter [tilespmem:s20], [sflag:$0x4], $0x80, $0x38;
	[tilespmem:$0x10A00] =	vst v63  }
0x282: {  	s11 =	simm.s32 $0x2200;
	s15 =	sadd.s32 $0x70, s9;
	s9 =	sadd.s32 $0x1000, s9  }
0x283: {  	[hbm4b:s30+s3] =	stream.linear.scatter [tilespmem:s29], [sflag:$0x4], $0x80, $0x38;
	[tilespmem:$0x10A00] =	vst v63  }
.LBB2_10:
0x284: {  	[hbm4b:s15+s3] =	stream.linear.scatter [tilespmem:s12], [sflag:$0x4], $0x80, $0x38;
	[tilespmem:$0x10A00] =	vst v63  }
0x285: {  	s12 =	smov.u32 s11  }
0x286: {  	s16 =	sadd.s32 $0x1100, s11;
	s15 =	sadd.s32 s10, s4;
	s10 =	sshra.s32 s12, $0x2  }
0x287: {  	[hbm4b:s9+s3] =	stream.linear.scatter [tilespmem:s15], [sflag:$0x4], $0x80, $0x38;
	[tilespmem:$0x10A00] =	vst v63  }
0x288: {  	p1 =	seq.s32 s11, $0x7700;
	s11 =	sadd.s32 $0x88, s15;
	s12 =	sadd.s32 $0x10, s9  }
0x289: {  	[hbm4b:s12+s3] =	stream.linear.scatter [tilespmem:s11], [sflag:$0x4], $0x80, $0x38;
	[tilespmem:$0x10A00] =	vst v63  }
0x28a: {  	s11 =	sadd.s32 $0x110, s15;
	s12 =	sadd.s32 $0x20, s9  }
0x28b: {  	[hbm4b:s12+s3] =	stream.linear.scatter [tilespmem:s11], [sflag:$0x4], $0x80, $0x38;
	[tilespmem:$0x10A00] =	vst v63  }
0x28c: {  	s11 =	sadd.s32 $0x198, s15;
	s12 =	sadd.s32 $0x30, s9  }
0x28d: {  	[hbm4b:s12+s3] =	stream.linear.scatter [tilespmem:s11], [sflag:$0x4], $0x80, $0x38;
	[tilespmem:$0x10A00] =	vst v63  }
0x28e: {  	s11 =	sadd.s32 $0x220, s15;
	s12 =	sadd.s32 $0x40, s9  }
0x28f: {  	[hbm4b:s12+s3] =	stream.linear.scatter [tilespmem:s11], [sflag:$0x4], $0x80, $0x38;
	[tilespmem:$0x10A00] =	vst v63  }
0x290: {  	s11 =	sadd.s32 $0x2A8, s15;
	s12 =	sadd.s32 $0x50, s9  }
0x291: {  	[hbm4b:s12+s3] =	stream.linear.scatter [tilespmem:s11], [sflag:$0x4], $0x80, $0x38;
	[tilespmem:$0x10A00] =	vst v63  }
.Ltmp3:
0x292: {  	_ = 	snop;
	(pc) =	sbr.rel @!p1 .LBB2_10-.Ltmp3, $4  }
0x293: {  	s11 =	sadd.s32 $0x330, s15;
	s12 =	sadd.s32 $0x60, s9  }
0x294: {  	[hbm4b:s12+s3] =	stream.linear.scatter [tilespmem:s11], [sflag:$0x4], $0x80, $0x38;
	[tilespmem:$0x10A00] =	vst v63  }
0x295: {  	s12 =	sadd.s32 $0x3B8, s15  }
0x296: {  	s15 =	sadd.s32 $0x70, s9;
	s9 =	sadd.s32 $0x1000, s9;
	s11 =	smov.u32 s16  }
0x297: {  	[hbm4b:s15+s3] =	stream.linear.scatter [tilespmem:s12], [sflag:$0x4], $0x80, $0x38;
	[tilespmem:$0x10A00] =	vst v63  }
0x298: {  	s4 =	sadd.s32 s10, s4  }
0x299: {  	[hbm4b:s9+s3] =	stream.linear.scatter [tilespmem:s4], [sflag:$0x4], $0x80, $0x38;
	[tilespmem:$0x10A00] =	vst v63  }
0x29a: {  	s11 =	sadd.s32 $0x10, s9;
	s10 =	sadd.s32 $0x88, s4  }
0x29b: {  	[hbm4b:s11+s3] =	stream.linear.scatter [tilespmem:s10], [sflag:$0x4], $0x80, $0x38;
	[tilespmem:$0x10A00] =	vst v63  }
0x29c: {  	s12 =	sadd.s32 $0x20, s9;
	s11 =	sadd.s32 $0x110, s4  }
0x29d: {  	[hbm4b:s12+s3] =	stream.linear.scatter [tilespmem:s11], [sflag:$0x4], $0x80, $0x38;
	[tilespmem:$0x10A00] =	vst v63  }
0x29e: {  	s16 =	sadd.s32 $0x30, s9;
	s15 =	sadd.s32 $0x198, s4  }
0x29f: {  	[hbm4b:s16+s3] =	stream.linear.scatter [tilespmem:s15], [sflag:$0x4], $0x80, $0x38;
	[tilespmem:$0x10A00] =	vst v63  }
0x2a0: {  	s18 =	sadd.s32 $0x40, s9;
	s17 =	sadd.s32 $0x220, s4  }
0x2a1: {  	[hbm4b:s18+s3] =	stream.linear.scatter [tilespmem:s17], [sflag:$0x4], $0x80, $0x38;
	[tilespmem:$0x10A00] =	vst v63  }
0x2a2: {  	s20 =	sadd.s32 $0x50, s9;
	s19 =	sadd.s32 $0x2A8, s4  }
0x2a3: {  	[hbm4b:s20+s3] =	stream.linear.scatter [tilespmem:s19], [sflag:$0x4], $0x80, $0x38;
	[tilespmem:$0x10A00] =	vst v63  }
0x2a4: {  	s29 =	sadd.s32 $0x60, s9;
	s21 =	sadd.s32 $0x330, s4  }
0x2a5: {  	[hbm4b:s29+s3] =	stream.linear.scatter [tilespmem:s21], [sflag:$0x4], $0x80, $0x38;
	[tilespmem:$0x10A00] =	vst v63  }
0x2a6: {  	s30 =	sadd.s32 $0x70, s9;
	s4 =	sadd.s32 $0x3B8, s4  }
0x2a7: {  	[hbm4b:s30+s3] =	stream.linear.scatter [tilespmem:s4], [sflag:$0x4], $0x80, $0x38;
	[tilespmem:$0x10A00] =	vst v63  }
0x2a8: {  	p1 =	seq.s32 s0, $0x32  }
.Ltmp4:
0x2a9: {  	_ = 	snop;
	(pc) =	sbr.rel @!p1 .LBB2_3-.Ltmp4, $2  }
0x2aa: {  	_ =	sdelay $0x2  }
0x2ab: {  	p0 =	por !p0, !p0  }
0x2ac: {  	s0 =	simm.s32 $0x3  }
0x2ad: {  	_ =	swait.ge [sflag:s0], $0x2000  }
0x2ae: {  	[sflag:s0] =	ssyncset.done $0x0  }
0x2af: {  	[sflag:s0] =	ssyncadd.s32 $0xFFFFE000  }
0x2b0: {  	_ =	swait.ge [sflag:s23], $0x80  }
0x2b1: {  	[sflag:s23] =	ssyncset.done $0x0  }
0x2b2: {  	s29 =	simm.s32 $0x4;
	[sflag:s23] =	ssyncadd.s32 $0xFFFFFF80  }
0x2b3: {  	_ =	swait.ge [sflag:s29], $0x2000  }
0x2b4: {  	[sflag:s29] =	ssyncset.done $0x0  }
0x2b5: {  	[sflag:s29] =	ssyncadd.s32 $0xFFFFE000  }
0x2b6: {  	_ =	swait.ge [sflag:s26], $0x80  }
0x2b7: {  	s31 =	sadd.s32 $0x1, s31;
	s30 =	rddreg [dreg:$0x8]  }
0x2b8: {  	p0 =	sne.s32 s31, s30  }
.Ltmp5:
0x2b9: {  	_ = 	snop;
	(pc) =	sbr.rel @p0 .LBB2_1-.Ltmp5, $3  }
0x2ba: {  	_ =	sdelay $0x1  }
0x2bb: {  	[sflag:s26] =	ssyncset.done $0x0  }
0x2bc: {  	[sflag:s26] =	ssyncadd.s32 $0xFFFFFF80  }
0x2bd: {  	_ =	sfence.sel $0x180000  }
0x2be: {  	[bflag:$0x0] =	sbarrier.arrive $0xFFFF  }
0x2bf: {  	_ =	strace $0x90000047  }
0x2c0: {  	s0 =	stileid.u32;
	[bflag:$0x2] =	sbarrier.arrive $0xFFFF  }
0x2c1: {  	p0 =	sne.s32 s0, $0x0;
	s0 =	rddreg [dreg:$0x3]  }
0x2c2: {  	s0 =	sadd.s32 @!p0 $0x100000, s0  }
0x2c3: {  	[sflag:s0] =	ssyncadd.tile.s32 @!p0 $0x1;
	_ =	shalt  }
.Lfunc_end2:
_tile_overlayer_lowered:
.L_overlay_start_2:
0x2c4: {  	(tag) =	ssettag $0x2  }
0x2c5: {  	s0 =	rddreg [dreg:$0x0];
	s2 =	stileid.u32  }
0x2c6: {  	s1 =	rddreg [dreg:$0x1];
	p0 =	sne.s32 s2, $0x0  }
0x2c7: {  	s3 =	rddreg [dreg:$0x2];
	[bflag:$0x3] =	sbarrier.arrive $0xFFFF;
	s2 =	simm.s32 @!p0 $0x1C07  }
0x2c8: {  	[timem:s3], [sflag:s2] =	dma.local @!p0 [hbm:s0], s1  }
0x2c9: {  	s0 =	simm.s32 @!p0 $0x7  }
0x2ca: {  	_ =	swait.ge @!p0 [sflag:s0], s1  }
0x2cb: {  	s1 =	ssub.s32 @!p0 $0x0, s1;
	[sflag:s0] =	ssyncset.done @!p0 $0x0  }
0x2cc: {  	[sflag:s0] =	ssyncadd.s32 @!p0 s1  }
0x2cd: {  	[bflag:$0x3] =	sbarrier.arrive $0xFFFF  }
0x2ce: {  	_ =	shalt  }

</sc_bundles>
